<compile_context>
chip_gen: v7x
topology: tpu7x:2x2x1
jax: 0.10.2.dev20260603
libtpu: 0.0.44.dev20260713+nightly
codegen_flags: <defaults>
</compile_context>

<pallas_src>
import functools

import jax
import jax.numpy as jnp
from jax import lax
from jax.experimental import pallas as pl
from jax.experimental.pallas import tpu as pltpu
from jax.experimental.pallas import tpu_sc as plsc

N = 10000
E = 320000
D = 128
H = 128
O = 64

NC = 2
NS = 16
NW = NC * NS
CE = 128
NCH = 80
RE = E // CE
TAIL = RE - (NW - 1) * NCH
PAD_CH = NW * NCH - RE
NPAD = 10240
RPS = NPAD // NS

_mesh = plsc.VectorSubcoreMesh(core_axis_name="c", subcore_axis_name="s")



@functools.partial(
    pl.kernel,
    out_type=jax.ShapeDtypeStruct((NC, NPAD), jnp.float32),
    mesh=_mesh,
    scratch_types=[
        pltpu.VMEM((NCH * CE,), jnp.int32),
        pltpu.VMEM((CE,), jnp.float32),
        pltpu.VMEM_SHARED((NPAD,), jnp.float32),
        pltpu.SemaphoreType.DMA,
    ],
)
def _degree(edge_hbm, pads_hbm, ones_hbm, zeros1_hbm, out_hbm,
            dst_v, ones_v, cnt_sh, sem):
    c = lax.axis_index("c")
    s = lax.axis_index("s")
    wid = s * NC + c

    @pl.when(wid < NW - 1)
    def _():
        pltpu.async_copy(edge_hbm.at[1].at[pl.ds(wid * (NCH * CE), NCH * CE)],
                         dst_v, sem).wait()

    @pl.when(wid == NW - 1)
    def _():
        cp_a = pltpu.async_copy(
            edge_hbm.at[1].at[pl.ds((RE - TAIL) * CE, TAIL * CE)],
            dst_v.at[pl.ds(0, TAIL * CE)], sem)
        cp_b = pltpu.async_copy(pads_hbm,
                                dst_v.at[pl.ds(TAIL * CE, PAD_CH * CE)], sem)
        cp_a.wait()
        cp_b.wait()

    pltpu.async_copy(ones_hbm, ones_v, sem).wait()
    pltpu.async_copy(
        zeros1_hbm.at[pl.ds(s * RPS, RPS)], cnt_sh.at[pl.ds(s * RPS, RPS)], sem
    ).wait()
    plsc.subcore_barrier()

    @pl.loop(0, NCH)
    def _(j):
        pltpu.sync_copy(ones_v, cnt_sh.at[dst_v.at[pl.ds(j * CE, CE)]], add=True)

    plsc.subcore_barrier()
    pltpu.async_copy(
        cnt_sh.at[pl.ds(s * RPS, RPS)], out_hbm.at[c].at[pl.ds(s * RPS, RPS)], sem
    ).wait()


def _make_propagate(width):
    @functools.partial(
        pl.kernel,
        out_type=jax.ShapeDtypeStruct((NC, NPAD, width), jnp.float32),
        mesh=_mesh,
        compiler_params=pltpu.CompilerParams(use_tc_tiling_on_sc=False),
        scratch_types=[
            pltpu.VMEM((NCH // 2 * CE,), jnp.int32),
            pltpu.VMEM((NCH // 2 * CE,), jnp.int32),
            pltpu.VMEM((CE, width), jnp.float32),
            pltpu.VMEM((CE, width), jnp.float32),
            pltpu.VMEM_SHARED((NPAD, width), jnp.float32),
            pltpu.SemaphoreType.DMA,
            pltpu.SemaphoreType.DMA,
            pltpu.SemaphoreType.DMA,
        ],
    )
    def prop(g_hbm, edge_hbm, pads_hbm, zeros_hbm, out_hbm,
             src_v, dst_v, buf0, buf1, acc_sh, sem, gsem0, gsem1):
        c = lax.axis_index("c")
        s = lax.axis_index("s")
        wid = s * NC + c
        hch = NCH // 2
        pltpu.async_copy(
            zeros_hbm.at[pl.ds(s * RPS, RPS)], acc_sh.at[pl.ds(s * RPS, RPS)], sem
        ).wait()
        plsc.subcore_barrier()

        @pl.loop(0, 2)
        def _(p):
            e0 = (wid * NCH + p * hch) * CE

            @pl.when(wid < NW - 1)
            def _():
                cp_s = pltpu.async_copy(edge_hbm.at[0].at[pl.ds(e0, hch * CE)],
                                        src_v, sem)
                cp_d = pltpu.async_copy(edge_hbm.at[1].at[pl.ds(e0, hch * CE)],
                                        dst_v, gsem0)
                cp_s.wait()
                cp_d.wait()

            @pl.when((wid == NW - 1) & (p == 0))
            def _():
                cp_a = pltpu.async_copy(
                    edge_hbm.at[0].at[pl.ds((RE - TAIL) * CE, TAIL * CE)],
                    src_v.at[pl.ds(0, TAIL * CE)], sem)
                cp_b = pltpu.async_copy(
                    pads_hbm.at[pl.ds(0, (hch - TAIL) * CE)],
                    src_v.at[pl.ds(TAIL * CE, (hch - TAIL) * CE)], gsem0)
                cp_c = pltpu.async_copy(
                    edge_hbm.at[1].at[pl.ds((RE - TAIL) * CE, TAIL * CE)],
                    dst_v.at[pl.ds(0, TAIL * CE)], gsem1)
                cp_d = pltpu.async_copy(
                    pads_hbm.at[pl.ds(0, (hch - TAIL) * CE)],
                    dst_v.at[pl.ds(TAIL * CE, (hch - TAIL) * CE)], sem)
                cp_a.wait()
                cp_b.wait()
                cp_c.wait()
                cp_d.wait()

            @pl.when((wid == NW - 1) & (p == 1))
            def _():
                cp_s = pltpu.async_copy(
                    pads_hbm.at[pl.ds((PAD_CH - hch) * CE, hch * CE)], src_v, sem)
                cp_d = pltpu.async_copy(
                    pads_hbm.at[pl.ds((PAD_CH - hch) * CE, hch * CE)], dst_v, gsem0)
                cp_s.wait()
                cp_d.wait()
            pltpu.async_copy(g_hbm.at[src_v.at[pl.ds(0, CE)]], buf0, gsem0)
            pltpu.async_copy(g_hbm.at[src_v.at[pl.ds(CE, CE)]], buf1, gsem1)

            @pl.loop(0, hch, step=2)
            def _(j):
                pltpu.make_async_copy(
                    g_hbm.at[src_v.at[pl.ds(j * CE, CE)]], buf0, gsem0).wait()
                pltpu.sync_copy(buf0, acc_sh.at[dst_v.at[pl.ds(j * CE, CE)]],
                                add=True)

                @pl.when(j + 2 < hch)
                def _():
                    pltpu.async_copy(
                        g_hbm.at[src_v.at[pl.ds((j + 2) * CE, CE)]], buf0, gsem0)

                pltpu.make_async_copy(
                    g_hbm.at[src_v.at[pl.ds((j + 1) * CE, CE)]], buf1, gsem1).wait()
                pltpu.sync_copy(buf1, acc_sh.at[dst_v.at[pl.ds((j + 1) * CE, CE)]],
                                add=True)

                @pl.when(j + 3 < hch)
                def _():
                    pltpu.async_copy(
                        g_hbm.at[src_v.at[pl.ds((j + 3) * CE, CE)]], buf1, gsem1)

        plsc.subcore_barrier()
        pltpu.async_copy(
            acc_sh.at[pl.ds(s * RPS, RPS)],
            out_hbm.at[c].at[pl.ds(s * RPS, RPS)],
            sem,
        ).wait()

    return prop


_prop_h = _make_propagate(H)
_prop_o = _make_propagate(O)



_BLK = 1280
_GRID = NPAD // _BLK


def _matmul(x, w):
    d_in, d_out = w.shape

    def body(x_ref, w_ref, o_ref):
        o_ref[...] = jnp.dot(x_ref[...], w_ref[...],
                             preferred_element_type=jnp.float32)

    return pl.pallas_call(
        body,
        grid=(_GRID,),
        in_specs=[
            pl.BlockSpec((_BLK, d_in), lambda i: (i, 0)),
            pl.BlockSpec((d_in, d_out), lambda i: (0, 0)),
        ],
        out_specs=pl.BlockSpec((_BLK, d_out), lambda i: (i, 0)),
        out_shape=jax.ShapeDtypeStruct((NPAD, d_out), jnp.float32),
    )(x, w)


def _scale(h, counts):
    def body(h_ref, c_ref, o_ref):
        dinv = lax.rsqrt(1.0 + c_ref[0, :] + c_ref[1, :])
        o_ref[...] = h_ref[...] * dinv[:, None]

    return pl.pallas_call(
        body,
        grid=(_GRID,),
        in_specs=[
            pl.BlockSpec((_BLK, H), lambda i: (i, 0)),
            pl.BlockSpec((NC, _BLK), lambda i: (0, i)),
        ],
        out_specs=pl.BlockSpec((_BLK, H), lambda i: (i, 0)),
        out_shape=jax.ShapeDtypeStruct((NPAD, H), jnp.float32),
    )(h, counts)


def _layer2(acc1, g1, counts, b1, w2):
    def body(a_ref, g_ref, c_ref, b_ref, w_ref, h_ref, g2_ref):
        dinv = lax.rsqrt(1.0 + c_ref[0, :] + c_ref[1, :])
        pre = (a_ref[0] + a_ref[1] + g_ref[...]) * dinv[:, None] + b_ref[...]
        hblk = jnp.maximum(pre, 0.0)
        h_ref[...] = hblk
        g2_ref[...] = jnp.dot(hblk, w_ref[...],
                              preferred_element_type=jnp.float32) * dinv[:, None]

    return pl.pallas_call(
        body,
        grid=(_GRID,),
        in_specs=[
            pl.BlockSpec((NC, _BLK, H), lambda i: (0, i, 0)),
            pl.BlockSpec((_BLK, H), lambda i: (i, 0)),
            pl.BlockSpec((NC, _BLK), lambda i: (0, i)),
            pl.BlockSpec((1, H), lambda i: (0, 0)),
            pl.BlockSpec((H, O), lambda i: (0, 0)),
        ],
        out_specs=[
            pl.BlockSpec((_BLK, H), lambda i: (i, 0)),
            pl.BlockSpec((_BLK, O), lambda i: (i, 0)),
        ],
        out_shape=[
            jax.ShapeDtypeStruct((N, H), jnp.float32),
            jax.ShapeDtypeStruct((NPAD, O), jnp.float32),
        ],
    )(acc1, g1, counts, b1, w2)


def _final(acc2, g2, counts, b2):
    def body(a_ref, g_ref, c_ref, b_ref, o_ref):
        dinv = lax.rsqrt(1.0 + c_ref[0, :] + c_ref[1, :])
        o_ref[...] = (a_ref[0] + a_ref[1] + g_ref[...]) * dinv[:, None] + b_ref[...]

    return pl.pallas_call(
        body,
        grid=(_GRID,),
        in_specs=[
            pl.BlockSpec((NC, _BLK, O), lambda i: (0, i, 0)),
            pl.BlockSpec((_BLK, O), lambda i: (i, 0)),
            pl.BlockSpec((NC, _BLK), lambda i: (0, i)),
            pl.BlockSpec((1, O), lambda i: (0, 0)),
        ],
        out_specs=pl.BlockSpec((_BLK, O), lambda i: (i, 0)),
        out_shape=jax.ShapeDtypeStruct((N, O), jnp.float32),
    )(acc2, g2, counts, b2)



def kernel(x, edge_index, W1, b1, W2, b2):
    edges = edge_index.astype(jnp.int32)
    pads = N + jnp.arange(PAD_CH * CE, dtype=jnp.int32) % (NPAD - N)
    ones_c = jnp.ones((CE,), jnp.float32)
    zeros1 = jnp.zeros((NPAD,), jnp.float32)
    zeros_h = jnp.zeros((NPAD, H), jnp.float32)
    zeros_o = jnp.zeros((NPAD, O), jnp.float32)

    counts = _degree(edges, pads, ones_c, zeros1)
    h1 = _matmul(x, W1)
    g1 = _scale(h1, counts)
    acc1 = _prop_h(g1, edges, pads, zeros_h)
    h, g2 = _layer2(acc1, g1, counts, b1.reshape(1, H), W2)
    acc2 = _prop_o(g2, edges, pads, zeros_o)
    logits = _final(acc2, g2, counts, b2.reshape(1, O))
    return h, logits

# --- scband reference (transcript-rebuilt; emitter-appended) ---
"""Pipeline reference for scband-gcn-53721450938844 (READ-ONLY COPY).

The authoritative reference and input builder live on the scoring server;
editing this copy changes nothing except your own understanding.
"""

import jax, jax.numpy as jnp
import numpy as np

N = 10000
E = 320000
D = 128
H = 128
O = 64


def setup_inputs(seed: int = 0) -> dict:
    key = jax.random.key(seed)
    k1, k2, k3, k4 = jax.random.split(key, 4)
    x = jax.random.normal(k1, (N, D), dtype=jnp.float32)
    # int64 requested; jax without x64 stores int32, which is fine for indexing
    edge_index = jax.random.randint(k2, (2, E), 0, N, dtype=jnp.int32)
    W1 = jax.random.normal(k3, (D, H), dtype=jnp.float32) * 0.05
    b1 = jnp.zeros((H,), dtype=jnp.float32)
    W2 = jax.random.normal(k4, (H, O), dtype=jnp.float32) * 0.05
    b2 = jnp.zeros((O,), dtype=jnp.float32)
    return {"x": x, "edge_index": edge_index, "W1": W1, "b1": b1, "W2": W2, "b2": b2}


def gcn_conv(x, edge_index, W, b):
    # Faithful PyG GCNConv: add self-loops, symmetric normalization, linear, scatter-add, bias
    n = x.shape[0]
    src = edge_index[0]
    dst = edge_index[1]
    sl = jnp.arange(n, dtype=src.dtype)
    src = jnp.concatenate([src, sl])
    dst = jnp.concatenate([dst, sl])
    ew = jnp.ones(src.shape[0], dtype=x.dtype)
    deg = jnp.zeros((n,), dtype=x.dtype).at[dst].add(ew)
    dinv = jnp.where(deg > 0, 1.0 / jnp.sqrt(deg), 0.0)
    norm = dinv[src] * ew * dinv[dst]
    h = x @ W
    msg = h[src] * norm[:, None]
    out = jnp.zeros((n, W.shape[1]), dtype=x.dtype).at[dst].add(msg)
    return out + b


def reference(x, edge_index, W1, b1, W2, b2):
    # layer 1 + relu (dropout inactive in eval)
    h = gcn_conv(x, edge_index, W1, b1)
    h = jax.nn.relu(h)
    # final layer -> logits; module returns (hidden, logits)
    logits = gcn_conv(h, edge_index, W2, b2)
    return (h, logits)

if __name__ == "__main__":
    import jax
    _d = setup_inputs()
    print(jax.jit(kernel)(*tuple(_d.values())))

</pallas_src>

<mosaic_0001>
#map = affine_map<(d0, d1) -> (0, 0)>
#map1 = affine_map<(d0, d1) -> (0)>
#map2 = affine_map<(d0, d1) -> (0, 0, 0)>
module attributes {stable_mosaic.version = 14 : i64} {
  func.func @prop(%arg0: i32, %arg1: i32, %arg2: memref<10240x64xf32, #tpu.memory_space<hbm>>, %arg3: memref<2x320000xi32, #tpu.memory_space<hbm>>, %arg4: memref<7680xi32, #tpu.memory_space<hbm>>, %arg5: memref<10240x64xf32, #tpu.memory_space<hbm>>, %arg6: memref<2x10240x64xf32, #tpu.memory_space<hbm>>, %arg7: memref<5120xi32, #tpu.memory_space<vmem>>, %arg8: memref<5120xi32, #tpu.memory_space<vmem>>, %arg9: memref<128x64xf32, #tpu.memory_space<vmem>>, %arg10: memref<128x64xf32, #tpu.memory_space<vmem>>, %arg11: memref<10240x64xf32, #tpu.memory_space<vmem_shared>>, %arg12: memref<!tpu.dma_semaphore, #tpu.memory_space<semaphore_mem>>, %arg13: memref<!tpu.dma_semaphore, #tpu.memory_space<semaphore_mem>>, %arg14: memref<!tpu.dma_semaphore, #tpu.memory_space<semaphore_mem>>) attributes {dimension_semantics = [#tpu.dimension_semantics<core_parallel>, #tpu.dimension_semantics<subcore_parallel>], iteration_bounds = array<i64: 2, 16>, scalar_prefetch = 0 : i64, scratch_operands = 8 : i64, tpu.core_type = #tpu.core_type<sc_vector_subcore>, window_params = [{transform_indices = #map}, {transform_indices = #map}, {transform_indices = #map1}, {transform_indices = #map}, {transform_indices = #map2}]} {
    %mul3A = arith.constant 2 : i32
    %mul3A_0 = arith.muli %arg1, %mul3A : i32
    %add3A = arith.addi %mul3A_0, %arg0 : i32
    %mul3A_1 = arith.constant 640 : i32
    %mul3A_2 = arith.muli %arg1, %mul3A_1 : i32
    %mul3A_3 = arith.constant 640 : i32
    %mul3A_4 = arith.muli %arg1, %mul3A_3 : i32
    %dma_start3A = arith.constant 0 : i32
    %dma_start3A_5 = tpu.memref_slice %arg11[%mul3A_4, %dma_start3A] : memref<10240x64xf32, #tpu.memory_space<vmem_shared>> -> memref<640x64xf32, #tpu.memory_space<vmem_shared>>
    %dma_start3A_6 = arith.constant 0 : i32
    %dma_start3A_7 = tpu.memref_slice %arg5[%mul3A_2, %dma_start3A_6] : memref<10240x64xf32, #tpu.memory_space<hbm>> -> memref<640x64xf32, #tpu.memory_space<hbm>>
    tpu.enqueue_dma source(%dma_start3A_7 : memref<640x64xf32, #tpu.memory_space<hbm>>) target(%dma_start3A_5 : memref<640x64xf32, #tpu.memory_space<vmem_shared>>) target_semaphore(%arg12 : memref<!tpu.dma_semaphore, #tpu.memory_space<semaphore_mem>>)
    %dma_wait3A = arith.constant 0 : i32
    %dma_wait3A_8 = tpu.memref_slice %arg11[%mul3A_4, %dma_wait3A] : memref<10240x64xf32, #tpu.memory_space<vmem_shared>> -> memref<640x64xf32, #tpu.memory_space<vmem_shared>>
    %dma_wait3A_9 = arith.constant 0 : i32
    %dma_wait3A_10 = tpu.memref_slice %arg5[%mul3A_2, %dma_wait3A_9] : memref<10240x64xf32, #tpu.memory_space<hbm>> -> memref<640x64xf32, #tpu.memory_space<hbm>>
    tpu.wait_dma2 semaphore(%arg12 : memref<!tpu.dma_semaphore, #tpu.memory_space<semaphore_mem>>) src(%dma_wait3A_10 : memref<640x64xf32, #tpu.memory_space<hbm>>) dst(%dma_wait3A_8 : memref<640x64xf32, #tpu.memory_space<vmem_shared>>)
    %barrier3A = arith.constant 0 : index
    tpu.barrier barrier_id(%barrier3A)
    %scan3A = arith.constant 0 : i32
    %scan3A_11 = arith.constant 2 : i32
    %scan3A_12 = arith.addi %scan3A, %scan3A_11 : i32
    %scan3A_13 = arith.constant 1 : i32
    scf.for %scan3A_36 = %scan3A to %scan3A_12 step %scan3A_13  : i32 {
      %mul3A_37 = arith.constant 1 : i32
      %mul3A_38 = arith.muli %scan3A_36, %mul3A_37 : i32
      %add3A_39 = arith.constant 0 : i32
      %add3A_40 = arith.addi %add3A_39, %mul3A_38 : i32
      %mul3A_41 = arith.constant 80 : i32
      %mul3A_42 = arith.muli %add3A, %mul3A_41 : i32
      %mul3A_43 = arith.constant 40 : i32
      %mul3A_44 = arith.muli %add3A_40, %mul3A_43 : i32
      %add3A_45 = arith.addi %mul3A_42, %mul3A_44 : i32
      %mul3A_46 = arith.constant 128 : i32
      %mul3A_47 = arith.muli %add3A_45, %mul3A_46 : i32
      %lt3A = arith.constant 31 : i32
      %lt3A_48 = arith.cmpi slt, %add3A, %lt3A : i32
      %convert_element_type3A = arith.extui %lt3A_48 : i1 to i32
      %cond3A = arith.constant 0 : i32
      %cond3A_49 = arith.cmpi ne, %convert_element_type3A, %cond3A : i32
      scf.if %cond3A_49 {
        %dma_start3A_79 = arith.constant 0 : i32
        %dma_start3A_80 = arith.constant 0 : i32
        %dma_start3A_81 = tpu.memref_slice %arg3[%dma_start3A_79, %dma_start3A_80] : memref<2x320000xi32, #tpu.memory_space<hbm>> -> memref<1x320000xi32, #tpu.memory_space<hbm>>
        %dma_start3A_82 = tpu.memref_squeeze %dma_start3A_81 : memref<1x320000xi32, #tpu.memory_space<hbm>> -> memref<320000xi32, #tpu.memory_space<hbm>>
        %dma_start3A_83 = tpu.memref_slice %dma_start3A_82[%mul3A_47] : memref<320000xi32, #tpu.memory_space<hbm>> -> memref<5120xi32, #tpu.memory_space<hbm>>
        %dma_start3A_84 = arith.constant 0 : i32
        %dma_start3A_85 = tpu.memref_slice %arg3[%dma_start3A_79, %dma_start3A_84] : memref<2x320000xi32, #tpu.memory_space<hbm>> -> memref<1x320000xi32, #tpu.memory_space<hbm>>
        %dma_start3A_86 = tpu.memref_squeeze %dma_start3A_85 : memref<1x320000xi32, #tpu.memory_space<hbm>> -> memref<320000xi32, #tpu.memory_space<hbm>>
        %dma_start3A_87 = tpu.memref_slice %dma_start3A_86[%mul3A_47] : memref<320000xi32, #tpu.memory_space<hbm>> -> memref<5120xi32, #tpu.memory_space<hbm>>
        tpu.enqueue_dma source(%dma_start3A_87 : memref<5120xi32, #tpu.memory_space<hbm>>) target(%arg7 : memref<5120xi32, #tpu.memory_space<vmem>>) target_semaphore(%arg12 : memref<!tpu.dma_semaphore, #tpu.memory_space<semaphore_mem>>)
        %dma_start3A_88 = arith.constant 1 : i32
        %dma_start3A_89 = arith.constant 0 : i32
        %dma_start3A_90 = tpu.memref_slice %arg3[%dma_start3A_88, %dma_start3A_89] : memref<2x320000xi32, #tpu.memory_space<hbm>> -> memref<1x320000xi32, #tpu.memory_space<hbm>>
        %dma_start3A_91 = tpu.memref_squeeze %dma_start3A_90 : memref<1x320000xi32, #tpu.memory_space<hbm>> -> memref<320000xi32, #tpu.memory_space<hbm>>
        %dma_start3A_92 = tpu.memref_slice %dma_start3A_91[%mul3A_47] : memref<320000xi32, #tpu.memory_space<hbm>> -> memref<5120xi32, #tpu.memory_space<hbm>>
        %dma_start3A_93 = arith.constant 0 : i32
        %dma_start3A_94 = tpu.memref_slice %arg3[%dma_start3A_88, %dma_start3A_93] : memref<2x320000xi32, #tpu.memory_space<hbm>> -> memref<1x320000xi32, #tpu.memory_space<hbm>>
        %dma_start3A_95 = tpu.memref_squeeze %dma_start3A_94 : memref<1x320000xi32, #tpu.memory_space<hbm>> -> memref<320000xi32, #tpu.memory_space<hbm>>
        %dma_start3A_96 = tpu.memref_slice %dma_start3A_95[%mul3A_47] : memref<320000xi32, #tpu.memory_space<hbm>> -> memref<5120xi32, #tpu.memory_space<hbm>>
        tpu.enqueue_dma source(%dma_start3A_96 : memref<5120xi32, #tpu.memory_space<hbm>>) target(%arg8 : memref<5120xi32, #tpu.memory_space<vmem>>) target_semaphore(%arg13 : memref<!tpu.dma_semaphore, #tpu.memory_space<semaphore_mem>>)
        %dma_wait3A_97 = arith.constant 0 : i32
        %dma_wait3A_98 = arith.constant 0 : i32
        %dma_wait3A_99 = tpu.memref_slice %arg3[%dma_wait3A_97, %dma_wait3A_98] : memref<2x320000xi32, #tpu.memory_space<hbm>> -> memref<1x320000xi32, #tpu.memory_space<hbm>>
        %dma_wait3A_100 = tpu.memref_squeeze %dma_wait3A_99 : memref<1x320000xi32, #tpu.memory_space<hbm>> -> memref<320000xi32, #tpu.memory_space<hbm>>
        %dma_wait3A_101 = tpu.memref_slice %dma_wait3A_100[%mul3A_47] : memref<320000xi32, #tpu.memory_space<hbm>> -> memref<5120xi32, #tpu.memory_space<hbm>>
        %dma_wait3A_102 = arith.constant 0 : i32
        %dma_wait3A_103 = tpu.memref_slice %arg3[%dma_wait3A_97, %dma_wait3A_102] : memref<2x320000xi32, #tpu.memory_space<hbm>> -> memref<1x320000xi32, #tpu.memory_space<hbm>>
        %dma_wait3A_104 = tpu.memref_squeeze %dma_wait3A_103 : memref<1x320000xi32, #tpu.memory_space<hbm>> -> memref<320000xi32, #tpu.memory_space<hbm>>
        %dma_wait3A_105 = tpu.memref_slice %dma_wait3A_104[%mul3A_47] : memref<320000xi32, #tpu.memory_space<hbm>> -> memref<5120xi32, #tpu.memory_space<hbm>>
        tpu.wait_dma2 semaphore(%arg12 : memref<!tpu.dma_semaphore, #tpu.memory_space<semaphore_mem>>) src(%dma_wait3A_105 : memref<5120xi32, #tpu.memory_space<hbm>>) dst(%arg7 : memref<5120xi32, #tpu.memory_space<vmem>>)
        %dma_wait3A_106 = arith.constant 1 : i32
        %dma_wait3A_107 = arith.constant 0 : i32
        %dma_wait3A_108 = tpu.memref_slice %arg3[%dma_wait3A_106, %dma_wait3A_107] : memref<2x320000xi32, #tpu.memory_space<hbm>> -> memref<1x320000xi32, #tpu.memory_space<hbm>>
        %dma_wait3A_109 = tpu.memref_squeeze %dma_wait3A_108 : memref<1x320000xi32, #tpu.memory_space<hbm>> -> memref<320000xi32, #tpu.memory_space<hbm>>
        %dma_wait3A_110 = tpu.memref_slice %dma_wait3A_109[%mul3A_47] : memref<320000xi32, #tpu.memory_space<hbm>> -> memref<5120xi32, #tpu.memory_space<hbm>>
        %dma_wait3A_111 = arith.constant 0 : i32
        %dma_wait3A_112 = tpu.memref_slice %arg3[%dma_wait3A_106, %dma_wait3A_111] : memref<2x320000xi32, #tpu.memory_space<hbm>> -> memref<1x320000xi32, #tpu.memory_space<hbm>>
        %dma_wait3A_113 = tpu.memref_squeeze %dma_wait3A_112 : memref<1x320000xi32, #tpu.memory_space<hbm>> -> memref<320000xi32, #tpu.memory_space<hbm>>
        %dma_wait3A_114 = tpu.memref_slice %dma_wait3A_113[%mul3A_47] : memref<320000xi32, #tpu.memory_space<hbm>> -> memref<5120xi32, #tpu.memory_space<hbm>>
        tpu.wait_dma2 semaphore(%arg13 : memref<!tpu.dma_semaphore, #tpu.memory_space<semaphore_mem>>) src(%dma_wait3A_114 : memref<5120xi32, #tpu.memory_space<hbm>>) dst(%arg8 : memref<5120xi32, #tpu.memory_space<vmem>>)
      } else {
      }
      %eq3A = arith.constant 31 : i32
      %eq3A_50 = arith.cmpi eq, %add3A, %eq3A : i32
      %eq3A_51 = arith.constant 0 : i32
      %eq3A_52 = arith.cmpi eq, %add3A_40, %eq3A_51 : i32
      %and3A = arith.andi %eq3A_50, %eq3A_52 : i1
      %convert_element_type3A_53 = arith.extui %and3A : i1 to i32
      %cond3A_54 = arith.constant 0 : i32
      %cond3A_55 = arith.cmpi ne, %convert_element_type3A_53, %cond3A_54 : i32
      scf.if %cond3A_55 {
        %dma_start3A_79 = arith.constant 0 : i32
        %dma_start3A_80 = arith.constant 0 : i32
        %dma_start3A_81 = tpu.memref_slice %arg7[%dma_start3A_80] : memref<5120xi32, #tpu.memory_space<vmem>> -> memref<2560xi32, #tpu.memory_space<vmem>>
        %dma_start3A_82 = arith.constant 0 : i32
        %dma_start3A_83 = tpu.memref_slice %arg3[%dma_start3A_79, %dma_start3A_82] : memref<2x320000xi32, #tpu.memory_space<hbm>> -> memref<1x320000xi32, #tpu.memory_space<hbm>>
        %dma_start3A_84 = tpu.memref_squeeze %dma_start3A_83 : memref<1x320000xi32, #tpu.memory_space<hbm>> -> memref<320000xi32, #tpu.memory_space<hbm>>
        %dma_start3A_85 = arith.constant 317440 : i32
        %dma_start3A_86 = tpu.memref_slice %dma_start3A_84[%dma_start3A_85] : memref<320000xi32, #tpu.memory_space<hbm>> -> memref<2560xi32, #tpu.memory_space<hbm>>
        %dma_start3A_87 = arith.constant 0 : i32
        %dma_start3A_88 = tpu.memref_slice %arg7[%dma_start3A_87] : memref<5120xi32, #tpu.memory_space<vmem>> -> memref<2560xi32, #tpu.memory_space<vmem>>
        %dma_start3A_89 = arith.constant 0 : i32
        %dma_start3A_90 = tpu.memref_slice %arg3[%dma_start3A_79, %dma_start3A_89] : memref<2x320000xi32, #tpu.memory_space<hbm>> -> memref<1x320000xi32, #tpu.memory_space<hbm>>
        %dma_start3A_91 = tpu.memref_squeeze %dma_start3A_90 : memref<1x320000xi32, #tpu.memory_space<hbm>> -> memref<320000xi32, #tpu.memory_space<hbm>>
        %dma_start3A_92 = arith.constant 317440 : i32
        %dma_start3A_93 = tpu.memref_slice %dma_start3A_91[%dma_start3A_92] : memref<320000xi32, #tpu.memory_space<hbm>> -> memref<2560xi32, #tpu.memory_space<hbm>>
        tpu.enqueue_dma source(%dma_start3A_93 : memref<2560xi32, #tpu.memory_space<hbm>>) target(%dma_start3A_88 : memref<2560xi32, #tpu.memory_space<vmem>>) target_semaphore(%arg12 : memref<!tpu.dma_semaphore, #tpu.memory_space<semaphore_mem>>)
        %dma_start3A_94 = arith.constant 2560 : i32
        %dma_start3A_95 = tpu.memref_slice %arg7[%dma_start3A_94] : memref<5120xi32, #tpu.memory_space<vmem>> -> memref<2560xi32, #tpu.memory_space<vmem>>
        %dma_start3A_96 = arith.constant 0 : i32
        %dma_start3A_97 = tpu.memref_slice %arg4[%dma_start3A_96] : memref<7680xi32, #tpu.memory_space<hbm>> -> memref<2560xi32, #tpu.memory_space<hbm>>
        %dma_start3A_98 = arith.constant 2560 : i32
        %dma_start3A_99 = tpu.memref_slice %arg7[%dma_start3A_98] : memref<5120xi32, #tpu.memory_space<vmem>> -> memref<2560xi32, #tpu.memory_space<vmem>>
        %dma_start3A_100 = arith.constant 0 : i32
        %dma_start3A_101 = tpu.memref_slice %arg4[%dma_start3A_100] : memref<7680xi32, #tpu.memory_space<hbm>> -> memref<2560xi32, #tpu.memory_space<hbm>>
        tpu.enqueue_dma source(%dma_start3A_101 : memref<2560xi32, #tpu.memory_space<hbm>>) target(%dma_start3A_99 : memref<2560xi32, #tpu.memory_space<vmem>>) target_semaphore(%arg13 : memref<!tpu.dma_semaphore, #tpu.memory_space<semaphore_mem>>)
        %dma_start3A_102 = arith.constant 1 : i32
        %dma_start3A_103 = arith.constant 0 : i32
        %dma_start3A_104 = tpu.memref_slice %arg8[%dma_start3A_103] : memref<5120xi32, #tpu.memory_space<vmem>> -> memref<2560xi32, #tpu.memory_space<vmem>>
        %dma_start3A_105 = arith.constant 0 : i32
        %dma_start3A_106 = tpu.memref_slice %arg3[%dma_start3A_102, %dma_start3A_105] : memref<2x320000xi32, #tpu.memory_space<hbm>> -> memref<1x320000xi32, #tpu.memory_space<hbm>>
        %dma_start3A_107 = tpu.memref_squeeze %dma_start3A_106 : memref<1x320000xi32, #tpu.memory_space<hbm>> -> memref<320000xi32, #tpu.memory_space<hbm>>
        %dma_start3A_108 = arith.constant 317440 : i32
        %dma_start3A_109 = tpu.memref_slice %dma_start3A_107[%dma_start3A_108] : memref<320000xi32, #tpu.memory_space<hbm>> -> memref<2560xi32, #tpu.memory_space<hbm>>
        %dma_start3A_110 = arith.constant 0 : i32
        %dma_start3A_111 = tpu.memref_slice %arg8[%dma_start3A_110] : memref<5120xi32, #tpu.memory_space<vmem>> -> memref<2560xi32, #tpu.memory_space<vmem>>
        %dma_start3A_112 = arith.constant 0 : i32
        %dma_start3A_113 = tpu.memref_slice %arg3[%dma_start3A_102, %dma_start3A_112] : memref<2x320000xi32, #tpu.memory_space<hbm>> -> memref<1x320000xi32, #tpu.memory_space<hbm>>
        %dma_start3A_114 = tpu.memref_squeeze %dma_start3A_113 : memref<1x320000xi32, #tpu.memory_space<hbm>> -> memref<320000xi32, #tpu.memory_space<hbm>>
        %dma_start3A_115 = arith.constant 317440 : i32
        %dma_start3A_116 = tpu.memref_slice %dma_start3A_114[%dma_start3A_115] : memref<320000xi32, #tpu.memory_space<hbm>> -> memref<2560xi32, #tpu.memory_space<hbm>>
        tpu.enqueue_dma source(%dma_start3A_116 : memref<2560xi32, #tpu.memory_space<hbm>>) target(%dma_start3A_111 : memref<2560xi32, #tpu.memory_space<vmem>>) target_semaphore(%arg14 : memref<!tpu.dma_semaphore, #tpu.memory_space<semaphore_mem>>)
        %dma_start3A_117 = arith.constant 2560 : i32
        %dma_start3A_118 = tpu.memref_slice %arg8[%dma_start3A_117] : memref<5120xi32, #tpu.memory_space<vmem>> -> memref<2560xi32, #tpu.memory_space<vmem>>
        %dma_start3A_119 = arith.constant 0 : i32
        %dma_start3A_120 = tpu.memref_slice %arg4[%dma_start3A_119] : memref<7680xi32, #tpu.memory_space<hbm>> -> memref<2560xi32, #tpu.memory_space<hbm>>
        %dma_start3A_121 = arith.constant 2560 : i32
        %dma_start3A_122 = tpu.memref_slice %arg8[%dma_start3A_121] : memref<5120xi32, #tpu.memory_space<vmem>> -> memref<2560xi32, #tpu.memory_space<vmem>>
        %dma_start3A_123 = arith.constant 0 : i32
        %dma_start3A_124 = tpu.memref_slice %arg4[%dma_start3A_123] : memref<7680xi32, #tpu.memory_space<hbm>> -> memref<2560xi32, #tpu.memory_space<hbm>>
        tpu.enqueue_dma source(%dma_start3A_124 : memref<2560xi32, #tpu.memory_space<hbm>>) target(%dma_start3A_122 : memref<2560xi32, #tpu.memory_space<vmem>>) target_semaphore(%arg12 : memref<!tpu.dma_semaphore, #tpu.memory_space<semaphore_mem>>)
        %dma_wait3A_125 = arith.constant 0 : i32
        %dma_wait3A_126 = arith.constant 0 : i32
        %dma_wait3A_127 = tpu.memref_slice %arg7[%dma_wait3A_126] : memref<5120xi32, #tpu.memory_space<vmem>> -> memref<2560xi32, #tpu.memory_space<vmem>>
        %dma_wait3A_128 = arith.constant 0 : i32
        %dma_wait3A_129 = tpu.memref_slice %arg3[%dma_wait3A_125, %dma_wait3A_128] : memref<2x320000xi32, #tpu.memory_space<hbm>> -> memref<1x320000xi32, #tpu.memory_space<hbm>>
        %dma_wait3A_130 = tpu.memref_squeeze %dma_wait3A_129 : memref<1x320000xi32, #tpu.memory_space<hbm>> -> memref<320000xi32, #tpu.memory_space<hbm>>
        %dma_wait3A_131 = arith.constant 317440 : i32
        %dma_wait3A_132 = tpu.memref_slice %dma_wait3A_130[%dma_wait3A_131] : memref<320000xi32, #tpu.memory_space<hbm>> -> memref<2560xi32, #tpu.memory_space<hbm>>
        %dma_wait3A_133 = arith.constant 0 : i32
        %dma_wait3A_134 = tpu.memref_slice %arg7[%dma_wait3A_133] : memref<5120xi32, #tpu.memory_space<vmem>> -> memref<2560xi32, #tpu.memory_space<vmem>>
        %dma_wait3A_135 = arith.constant 0 : i32
        %dma_wait3A_136 = tpu.memref_slice %arg3[%dma_wait3A_125, %dma_wait3A_135] : memref<2x320000xi32, #tpu.memory_space<hbm>> -> memref<1x320000xi32, #tpu.memory_space<hbm>>
        %dma_wait3A_137 = tpu.memref_squeeze %dma_wait3A_136 : memref<1x320000xi32, #tpu.memory_space<hbm>> -> memref<320000xi32, #tpu.memory_space<hbm>>
        %dma_wait3A_138 = arith.constant 317440 : i32
        %dma_wait3A_139 = tpu.memref_slice %dma_wait3A_137[%dma_wait3A_138] : memref<320000xi32, #tpu.memory_space<hbm>> -> memref<2560xi32, #tpu.memory_space<hbm>>
        tpu.wait_dma2 semaphore(%arg12 : memref<!tpu.dma_semaphore, #tpu.memory_space<semaphore_mem>>) src(%dma_wait3A_139 : memref<2560xi32, #tpu.memory_space<hbm>>) dst(%dma_wait3A_134 : memref<2560xi32, #tpu.memory_space<vmem>>)
        %dma_wait3A_140 = arith.constant 2560 : i32
        %dma_wait3A_141 = tpu.memref_slice %arg7[%dma_wait3A_140] : memref<5120xi32, #tpu.memory_space<vmem>> -> memref<2560xi32, #tpu.memory_space<vmem>>
        %dma_wait3A_142 = arith.constant 0 : i32
        %dma_wait3A_143 = tpu.memref_slice %arg4[%dma_wait3A_142] : memref<7680xi32, #tpu.memory_space<hbm>> -> memref<2560xi32, #tpu.memory_space<hbm>>
        %dma_wait3A_144 = arith.constant 2560 : i32
        %dma_wait3A_145 = tpu.memref_slice %arg7[%dma_wait3A_144] : memref<5120xi32, #tpu.memory_space<vmem>> -> memref<2560xi32, #tpu.memory_space<vmem>>
        %dma_wait3A_146 = arith.constant 0 : i32
        %dma_wait3A_147 = tpu.memref_slice %arg4[%dma_wait3A_146] : memref<7680xi32, #tpu.memory_space<hbm>> -> memref<2560xi32, #tpu.memory_space<hbm>>
        tpu.wait_dma2 semaphore(%arg13 : memref<!tpu.dma_semaphore, #tpu.memory_space<semaphore_mem>>) src(%dma_wait3A_147 : memref<2560xi32, #tpu.memory_space<hbm>>) dst(%dma_wait3A_145 : memref<2560xi32, #tpu.memory_space<vmem>>)
        %dma_wait3A_148 = arith.constant 1 : i32
        %dma_wait3A_149 = arith.constant 0 : i32
        %dma_wait3A_150 = tpu.memref_slice %arg8[%dma_wait3A_149] : memref<5120xi32, #tpu.memory_space<vmem>> -> memref<2560xi32, #tpu.memory_space<vmem>>
        %dma_wait3A_151 = arith.constant 0 : i32
        %dma_wait3A_152 = tpu.memref_slice %arg3[%dma_wait3A_148, %dma_wait3A_151] : memref<2x320000xi32, #tpu.memory_space<hbm>> -> memref<1x320000xi32, #tpu.memory_space<hbm>>
        %dma_wait3A_153 = tpu.memref_squeeze %dma_wait3A_152 : memref<1x320000xi32, #tpu.memory_space<hbm>> -> memref<320000xi32, #tpu.memory_space<hbm>>
        %dma_wait3A_154 = arith.constant 317440 : i32
        %dma_wait3A_155 = tpu.memref_slice %dma_wait3A_153[%dma_wait3A_154] : memref<320000xi32, #tpu.memory_space<hbm>> -> memref<2560xi32, #tpu.memory_space<hbm>>
        %dma_wait3A_156 = arith.constant 0 : i32
        %dma_wait3A_157 = tpu.memref_slice %arg8[%dma_wait3A_156] : memref<5120xi32, #tpu.memory_space<vmem>> -> memref<2560xi32, #tpu.memory_space<vmem>>
        %dma_wait3A_158 = arith.constant 0 : i32
        %dma_wait3A_159 = tpu.memref_slice %arg3[%dma_wait3A_148, %dma_wait3A_158] : memref<2x320000xi32, #tpu.memory_space<hbm>> -> memref<1x320000xi32, #tpu.memory_space<hbm>>
        %dma_wait3A_160 = tpu.memref_squeeze %dma_wait3A_159 : memref<1x320000xi32, #tpu.memory_space<hbm>> -> memref<320000xi32, #tpu.memory_space<hbm>>
        %dma_wait3A_161 = arith.constant 317440 : i32
        %dma_wait3A_162 = tpu.memref_slice %dma_wait3A_160[%dma_wait3A_161] : memref<320000xi32, #tpu.memory_space<hbm>> -> memref<2560xi32, #tpu.memory_space<hbm>>
        tpu.wait_dma2 semaphore(%arg14 : memref<!tpu.dma_semaphore, #tpu.memory_space<semaphore_mem>>) src(%dma_wait3A_162 : memref<2560xi32, #tpu.memory_space<hbm>>) dst(%dma_wait3A_157 : memref<2560xi32, #tpu.memory_space<vmem>>)
        %dma_wait3A_163 = arith.constant 2560 : i32
        %dma_wait3A_164 = tpu.memref_slice %arg8[%dma_wait3A_163] : memref<5120xi32, #tpu.memory_space<vmem>> -> memref<2560xi32, #tpu.memory_space<vmem>>
        %dma_wait3A_165 = arith.constant 0 : i32
        %dma_wait3A_166 = tpu.memref_slice %arg4[%dma_wait3A_165] : memref<7680xi32, #tpu.memory_space<hbm>> -> memref<2560xi32, #tpu.memory_space<hbm>>
        %dma_wait3A_167 = arith.constant 2560 : i32
        %dma_wait3A_168 = tpu.memref_slice %arg8[%dma_wait3A_167] : memref<5120xi32, #tpu.memory_space<vmem>> -> memref<2560xi32, #tpu.memory_space<vmem>>
        %dma_wait3A_169 = arith.constant 0 : i32
        %dma_wait3A_170 = tpu.memref_slice %arg4[%dma_wait3A_169] : memref<7680xi32, #tpu.memory_space<hbm>> -> memref<2560xi32, #tpu.memory_space<hbm>>
        tpu.wait_dma2 semaphore(%arg12 : memref<!tpu.dma_semaphore, #tpu.memory_space<semaphore_mem>>) src(%dma_wait3A_170 : memref<2560xi32, #tpu.memory_space<hbm>>) dst(%dma_wait3A_168 : memref<2560xi32, #tpu.memory_space<vmem>>)
      } else {
      }
      %eq3A_56 = arith.constant 31 : i32
      %eq3A_57 = arith.cmpi eq, %add3A, %eq3A_56 : i32
      %eq3A_58 = arith.constant 1 : i32
      %eq3A_59 = arith.cmpi eq, %add3A_40, %eq3A_58 : i32
      %and3A_60 = arith.andi %eq3A_57, %eq3A_59 : i1
      %convert_element_type3A_61 = arith.extui %and3A_60 : i1 to i32
      %cond3A_62 = arith.constant 0 : i32
      %cond3A_63 = arith.cmpi ne, %convert_element_type3A_61, %cond3A_62 : i32
      scf.if %cond3A_63 {
        %dma_start3A_79 = arith.constant 2560 : i32
        %dma_start3A_80 = tpu.memref_slice %arg4[%dma_start3A_79] : memref<7680xi32, #tpu.memory_space<hbm>> -> memref<5120xi32, #tpu.memory_space<hbm>>
        %dma_start3A_81 = arith.constant 2560 : i32
        %dma_start3A_82 = tpu.memref_slice %arg4[%dma_start3A_81] : memref<7680xi32, #tpu.memory_space<hbm>> -> memref<5120xi32, #tpu.memory_space<hbm>>
        tpu.enqueue_dma source(%dma_start3A_82 : memref<5120xi32, #tpu.memory_space<hbm>>) target(%arg7 : memref<5120xi32, #tpu.memory_space<vmem>>) target_semaphore(%arg12 : memref<!tpu.dma_semaphore, #tpu.memory_space<semaphore_mem>>)
        %dma_start3A_83 = arith.constant 2560 : i32
        %dma_start3A_84 = tpu.memref_slice %arg4[%dma_start3A_83] : memref<7680xi32, #tpu.memory_space<hbm>> -> memref<5120xi32, #tpu.memory_space<hbm>>
        %dma_start3A_85 = arith.constant 2560 : i32
        %dma_start3A_86 = tpu.memref_slice %arg4[%dma_start3A_85] : memref<7680xi32, #tpu.memory_space<hbm>> -> memref<5120xi32, #tpu.memory_space<hbm>>
        tpu.enqueue_dma source(%dma_start3A_86 : memref<5120xi32, #tpu.memory_space<hbm>>) target(%arg8 : memref<5120xi32, #tpu.memory_space<vmem>>) target_semaphore(%arg13 : memref<!tpu.dma_semaphore, #tpu.memory_space<semaphore_mem>>)
        %dma_wait3A_87 = arith.constant 2560 : i32
        %dma_wait3A_88 = tpu.memref_slice %arg4[%dma_wait3A_87] : memref<7680xi32, #tpu.memory_space<hbm>> -> memref<5120xi32, #tpu.memory_space<hbm>>
        %dma_wait3A_89 = arith.constant 2560 : i32
        %dma_wait3A_90 = tpu.memref_slice %arg4[%dma_wait3A_89] : memref<7680xi32, #tpu.memory_space<hbm>> -> memref<5120xi32, #tpu.memory_space<hbm>>
        tpu.wait_dma2 semaphore(%arg12 : memref<!tpu.dma_semaphore, #tpu.memory_space<semaphore_mem>>) src(%dma_wait3A_90 : memref<5120xi32, #tpu.memory_space<hbm>>) dst(%arg7 : memref<5120xi32, #tpu.memory_space<vmem>>)
        %dma_wait3A_91 = arith.constant 2560 : i32
        %dma_wait3A_92 = tpu.memref_slice %arg4[%dma_wait3A_91] : memref<7680xi32, #tpu.memory_space<hbm>> -> memref<5120xi32, #tpu.memory_space<hbm>>
        %dma_wait3A_93 = arith.constant 2560 : i32
        %dma_wait3A_94 = tpu.memref_slice %arg4[%dma_wait3A_93] : memref<7680xi32, #tpu.memory_space<hbm>> -> memref<5120xi32, #tpu.memory_space<hbm>>
        tpu.wait_dma2 semaphore(%arg13 : memref<!tpu.dma_semaphore, #tpu.memory_space<semaphore_mem>>) src(%dma_wait3A_94 : memref<5120xi32, #tpu.memory_space<hbm>>) dst(%arg8 : memref<5120xi32, #tpu.memory_space<vmem>>)
      } else {
      }
      %dma_start3A_64 = arith.constant 0 : i32
      %dma_start3A_65 = tpu.memref_slice %arg7[%dma_start3A_64] : memref<5120xi32, #tpu.memory_space<vmem>> -> memref<128xi32, #tpu.memory_space<vmem>>
      %dma_start3A_66 = arith.constant 0 : i32
      %dma_start3A_67 = arith.constant 0 : i32
      %dma_start3A_68 = tpu.memref_slice %arg2[%dma_start3A_66, %dma_start3A_67] : memref<10240x64xf32, #tpu.memory_space<hbm>> -> memref<10240x64xf32, #tpu.memory_space<hbm>>
      tpu.enqueue_indirect_dma source(%dma_start3A_68 : memref<10240x64xf32, #tpu.memory_space<hbm>>) target(%arg9 : memref<128x64xf32, #tpu.memory_space<vmem>>) offsets(%dma_start3A_65 : memref<128xi32, #tpu.memory_space<vmem>>) semaphore(%arg13 : memref<!tpu.dma_semaphore, #tpu.memory_space<semaphore_mem>>)
      %dma_start3A_69 = arith.constant 128 : i32
      %dma_start3A_70 = tpu.memref_slice %arg7[%dma_start3A_69] : memref<5120xi32, #tpu.memory_space<vmem>> -> memref<128xi32, #tpu.memory_space<vmem>>
      %dma_start3A_71 = arith.constant 0 : i32
      %dma_start3A_72 = arith.constant 0 : i32
      %dma_start3A_73 = tpu.memref_slice %arg2[%dma_start3A_71, %dma_start3A_72] : memref<10240x64xf32, #tpu.memory_space<hbm>> -> memref<10240x64xf32, #tpu.memory_space<hbm>>
      tpu.enqueue_indirect_dma source(%dma_start3A_73 : memref<10240x64xf32, #tpu.memory_space<hbm>>) target(%arg10 : memref<128x64xf32, #tpu.memory_space<vmem>>) offsets(%dma_start3A_70 : memref<128xi32, #tpu.memory_space<vmem>>) semaphore(%arg14 : memref<!tpu.dma_semaphore, #tpu.memory_space<semaphore_mem>>)
      %scan3A_74 = arith.constant 0 : i32
      %scan3A_75 = arith.constant 20 : i32
      %scan3A_76 = arith.addi %scan3A_74, %scan3A_75 : i32
      %scan3A_77 = arith.constant 1 : i32
      scf.for %scan3A_79 = %scan3A_74 to %scan3A_76 step %scan3A_77  : i32 {
        %mul3A_80 = arith.constant 2 : i32
        %mul3A_81 = arith.muli %scan3A_79, %mul3A_80 : i32
        %add3A_82 = arith.constant 0 : i32
        %add3A_83 = arith.addi %add3A_82, %mul3A_81 : i32
        %mul3A_84 = arith.constant 128 : i32
        %mul3A_85 = arith.muli %add3A_83, %mul3A_84 : i32
        %dma_wait3A_86 = tpu.memref_slice %arg7[%mul3A_85] : memref<5120xi32, #tpu.memory_space<vmem>> -> memref<128xi32, #tpu.memory_space<vmem>>
        %dma_wait3A_87 = arith.constant 0 : i32
        %dma_wait3A_88 = arith.constant 0 : i32
        %dma_wait3A_89 = tpu.memref_slice %arg2[%dma_wait3A_87, %dma_wait3A_88] : memref<10240x64xf32, #tpu.memory_space<hbm>> -> memref<10240x64xf32, #tpu.memory_space<hbm>>
        tpu.wait_indirect_dma semaphore(%arg13 : memref<!tpu.dma_semaphore, #tpu.memory_space<semaphore_mem>>) src(%dma_wait3A_89 : memref<10240x64xf32, #tpu.memory_space<hbm>>) dst(%arg9 : memref<128x64xf32, #tpu.memory_space<vmem>>)
        %mul3A_90 = arith.constant 128 : i32
        %mul3A_91 = arith.muli %add3A_83, %mul3A_90 : i32
        "tpu.region"() ({
          %run_scoped3A = tpu.sem_alloc : memref<!tpu.dma_semaphore, #tpu.memory_space<semaphore_mem>>
          %dma_start3A_118 = tpu.memref_slice %arg8[%mul3A_91] : memref<5120xi32, #tpu.memory_space<vmem>> -> memref<128xi32, #tpu.memory_space<vmem>>
          %dma_start3A_119 = arith.constant 0 : i32
          %dma_start3A_120 = arith.constant 0 : i32
          %dma_start3A_121 = tpu.memref_slice %arg11[%dma_start3A_119, %dma_start3A_120] : memref<10240x64xf32, #tpu.memory_space<vmem_shared>> -> memref<10240x64xf32, #tpu.memory_space<vmem_shared>>
          tpu.enqueue_indirect_dma source(%arg9 : memref<128x64xf32, #tpu.memory_space<vmem>>) target(%dma_start3A_121 : memref<10240x64xf32, #tpu.memory_space<vmem_shared>>) offsets(%dma_start3A_118 : memref<128xi32, #tpu.memory_space<vmem>>) semaphore(%run_scoped3A : memref<!tpu.dma_semaphore, #tpu.memory_space<semaphore_mem>>) {add = true}
          %dma_wait3A_122 = tpu.memref_slice %arg8[%mul3A_91] : memref<5120xi32, #tpu.memory_space<vmem>> -> memref<128xi32, #tpu.memory_space<vmem>>
          %dma_wait3A_123 = arith.constant 0 : i32
          %dma_wait3A_124 = arith.constant 0 : i32
          %dma_wait3A_125 = tpu.memref_slice %arg11[%dma_wait3A_123, %dma_wait3A_124] : memref<10240x64xf32, #tpu.memory_space<vmem_shared>> -> memref<10240x64xf32, #tpu.memory_space<vmem_shared>>
          tpu.wait_indirect_dma semaphore(%run_scoped3A : memref<!tpu.dma_semaphore, #tpu.memory_space<semaphore_mem>>) src(%arg9 : memref<128x64xf32, #tpu.memory_space<vmem>>) dst(%dma_wait3A_125 : memref<10240x64xf32, #tpu.memory_space<vmem_shared>>)
          tpu.yield
        }) : () -> ()
        %add3A_92 = arith.constant 2 : i32
        %add3A_93 = arith.addi %add3A_83, %add3A_92 : i32
        %lt3A_94 = arith.constant 40 : i32
        %lt3A_95 = arith.cmpi slt, %add3A_93, %lt3A_94 : i32
        %convert_element_type3A_96 = arith.extui %lt3A_95 : i1 to i32
        %cond3A_97 = arith.constant 0 : i32
        %cond3A_98 = arith.cmpi ne, %convert_element_type3A_96, %cond3A_97 : i32
        scf.if %cond3A_98 {
          %add3A_118 = arith.constant 2 : i32
          %add3A_119 = arith.addi %add3A_83, %add3A_118 : i32
          %mul3A_120 = arith.constant 128 : i32
          %mul3A_121 = arith.muli %add3A_119, %mul3A_120 : i32
          %dma_start3A_122 = tpu.memref_slice %arg7[%mul3A_121] : memref<5120xi32, #tpu.memory_space<vmem>> -> memref<128xi32, #tpu.memory_space<vmem>>
          %dma_start3A_123 = arith.constant 0 : i32
          %dma_start3A_124 = arith.constant 0 : i32
          %dma_start3A_125 = tpu.memref_slice %arg2[%dma_start3A_123, %dma_start3A_124] : memref<10240x64xf32, #tpu.memory_space<hbm>> -> memref<10240x64xf32, #tpu.memory_space<hbm>>
          tpu.enqueue_indirect_dma source(%dma_start3A_125 : memref<10240x64xf32, #tpu.memory_space<hbm>>) target(%arg9 : memref<128x64xf32, #tpu.memory_space<vmem>>) offsets(%dma_start3A_122 : memref<128xi32, #tpu.memory_space<vmem>>) semaphore(%arg13 : memref<!tpu.dma_semaphore, #tpu.memory_space<semaphore_mem>>)
        } else {
        }
        %add3A_99 = arith.constant 1 : i32
        %add3A_100 = arith.addi %add3A_83, %add3A_99 : i32
        %mul3A_101 = arith.constant 128 : i32
        %mul3A_102 = arith.muli %add3A_100, %mul3A_101 : i32
        %dma_wait3A_103 = tpu.memref_slice %arg7[%mul3A_102] : memref<5120xi32, #tpu.memory_space<vmem>> -> memref<128xi32, #tpu.memory_space<vmem>>
        %dma_wait3A_104 = arith.constant 0 : i32
        %dma_wait3A_105 = arith.constant 0 : i32
        %dma_wait3A_106 = tpu.memref_slice %arg2[%dma_wait3A_104, %dma_wait3A_105] : memref<10240x64xf32, #tpu.memory_space<hbm>> -> memref<10240x64xf32, #tpu.memory_space<hbm>>
        tpu.wait_indirect_dma semaphore(%arg14 : memref<!tpu.dma_semaphore, #tpu.memory_space<semaphore_mem>>) src(%dma_wait3A_106 : memref<10240x64xf32, #tpu.memory_space<hbm>>) dst(%arg10 : memref<128x64xf32, #tpu.memory_space<vmem>>)
        %add3A_107 = arith.constant 1 : i32
        %add3A_108 = arith.addi %add3A_83, %add3A_107 : i32
        %mul3A_109 = arith.constant 128 : i32
        %mul3A_110 = arith.muli %add3A_108, %mul3A_109 : i32
        "tpu.region"() ({
          %run_scoped3A = tpu.sem_alloc : memref<!tpu.dma_semaphore, #tpu.memory_space<semaphore_mem>>
          %dma_start3A_118 = tpu.memref_slice %arg8[%mul3A_110] : memref<5120xi32, #tpu.memory_space<vmem>> -> memref<128xi32, #tpu.memory_space<vmem>>
          %dma_start3A_119 = arith.constant 0 : i32
          %dma_start3A_120 = arith.constant 0 : i32
          %dma_start3A_121 = tpu.memref_slice %arg11[%dma_start3A_119, %dma_start3A_120] : memref<10240x64xf32, #tpu.memory_space<vmem_shared>> -> memref<10240x64xf32, #tpu.memory_space<vmem_shared>>
          tpu.enqueue_indirect_dma source(%arg10 : memref<128x64xf32, #tpu.memory_space<vmem>>) target(%dma_start3A_121 : memref<10240x64xf32, #tpu.memory_space<vmem_shared>>) offsets(%dma_start3A_118 : memref<128xi32, #tpu.memory_space<vmem>>) semaphore(%run_scoped3A : memref<!tpu.dma_semaphore, #tpu.memory_space<semaphore_mem>>) {add = true}
          %dma_wait3A_122 = tpu.memref_slice %arg8[%mul3A_110] : memref<5120xi32, #tpu.memory_space<vmem>> -> memref<128xi32, #tpu.memory_space<vmem>>
          %dma_wait3A_123 = arith.constant 0 : i32
          %dma_wait3A_124 = arith.constant 0 : i32
          %dma_wait3A_125 = tpu.memref_slice %arg11[%dma_wait3A_123, %dma_wait3A_124] : memref<10240x64xf32, #tpu.memory_space<vmem_shared>> -> memref<10240x64xf32, #tpu.memory_space<vmem_shared>>
          tpu.wait_indirect_dma semaphore(%run_scoped3A : memref<!tpu.dma_semaphore, #tpu.memory_space<semaphore_mem>>) src(%arg10 : memref<128x64xf32, #tpu.memory_space<vmem>>) dst(%dma_wait3A_125 : memref<10240x64xf32, #tpu.memory_space<vmem_shared>>)
          tpu.yield
        }) : () -> ()
        %add3A_111 = arith.constant 3 : i32
        %add3A_112 = arith.addi %add3A_83, %add3A_111 : i32
        %lt3A_113 = arith.constant 40 : i32
        %lt3A_114 = arith.cmpi slt, %add3A_112, %lt3A_113 : i32
        %convert_element_type3A_115 = arith.extui %lt3A_114 : i1 to i32
        %cond3A_116 = arith.constant 0 : i32
        %cond3A_117 = arith.cmpi ne, %convert_element_type3A_115, %cond3A_116 : i32
        scf.if %cond3A_117 {
          %add3A_118 = arith.constant 3 : i32
          %add3A_119 = arith.addi %add3A_83, %add3A_118 : i32
          %mul3A_120 = arith.constant 128 : i32
          %mul3A_121 = arith.muli %add3A_119, %mul3A_120 : i32
          %dma_start3A_122 = tpu.memref_slice %arg7[%mul3A_121] : memref<5120xi32, #tpu.memory_space<vmem>> -> memref<128xi32, #tpu.memory_space<vmem>>
          %dma_start3A_123 = arith.constant 0 : i32
          %dma_start3A_124 = arith.constant 0 : i32
          %dma_start3A_125 = tpu.memref_slice %arg2[%dma_start3A_123, %dma_start3A_124] : memref<10240x64xf32, #tpu.memory_space<hbm>> -> memref<10240x64xf32, #tpu.memory_space<hbm>>
          tpu.enqueue_indirect_dma source(%dma_start3A_125 : memref<10240x64xf32, #tpu.memory_space<hbm>>) target(%arg10 : memref<128x64xf32, #tpu.memory_space<vmem>>) offsets(%dma_start3A_122 : memref<128xi32, #tpu.memory_space<vmem>>) semaphore(%arg14 : memref<!tpu.dma_semaphore, #tpu.memory_space<semaphore_mem>>)
        } else {
        }
      }
      %scan3A_78 = arith.constant 20 : i32
    }
    %scan3A_14 = arith.constant 2 : i32
    %barrier3A_15 = arith.constant 0 : index
    tpu.barrier barrier_id(%barrier3A_15)
    %mul3A_16 = arith.constant 640 : i32
    %mul3A_17 = arith.muli %arg1, %mul3A_16 : i32
    %mul3A_18 = arith.constant 640 : i32
    %mul3A_19 = arith.muli %arg1, %mul3A_18 : i32
    %dma_start3A_20 = arith.constant 0 : i32
    %dma_start3A_21 = arith.constant 0 : i32
    %dma_start3A_22 = tpu.memref_slice %arg6[%arg0, %dma_start3A_20, %dma_start3A_21] : memref<2x10240x64xf32, #tpu.memory_space<hbm>> -> memref<1x10240x64xf32, #tpu.memory_space<hbm>>
    %dma_start3A_23 = tpu.memref_squeeze %dma_start3A_22 : memref<1x10240x64xf32, #tpu.memory_space<hbm>> -> memref<10240x64xf32, #tpu.memory_space<hbm>>
    %dma_start3A_24 = arith.constant 0 : i32
    %dma_start3A_25 = tpu.memref_slice %dma_start3A_23[%mul3A_19, %dma_start3A_24] : memref<10240x64xf32, #tpu.memory_space<hbm>> -> memref<640x64xf32, #tpu.memory_space<hbm>>
    %dma_start3A_26 = arith.constant 0 : i32
    %dma_start3A_27 = tpu.memref_slice %arg11[%mul3A_17, %dma_start3A_26] : memref<10240x64xf32, #tpu.memory_space<vmem_shared>> -> memref<640x64xf32, #tpu.memory_space<vmem_shared>>
    tpu.enqueue_dma source(%dma_start3A_27 : memref<640x64xf32, #tpu.memory_space<vmem_shared>>) target(%dma_start3A_25 : memref<640x64xf32, #tpu.memory_space<hbm>>) target_semaphore(%arg12 : memref<!tpu.dma_semaphore, #tpu.memory_space<semaphore_mem>>)
    %dma_wait3A_28 = arith.constant 0 : i32
    %dma_wait3A_29 = arith.constant 0 : i32
    %dma_wait3A_30 = tpu.memref_slice %arg6[%arg0, %dma_wait3A_28, %dma_wait3A_29] : memref<2x10240x64xf32, #tpu.memory_space<hbm>> -> memref<1x10240x64xf32, #tpu.memory_space<hbm>>
    %dma_wait3A_31 = tpu.memref_squeeze %dma_wait3A_30 : memref<1x10240x64xf32, #tpu.memory_space<hbm>> -> memref<10240x64xf32, #tpu.memory_space<hbm>>
    %dma_wait3A_32 = arith.constant 0 : i32
    %dma_wait3A_33 = tpu.memref_slice %dma_wait3A_31[%mul3A_19, %dma_wait3A_32] : memref<10240x64xf32, #tpu.memory_space<hbm>> -> memref<640x64xf32, #tpu.memory_space<hbm>>
    %dma_wait3A_34 = arith.constant 0 : i32
    %dma_wait3A_35 = tpu.memref_slice %arg11[%mul3A_17, %dma_wait3A_34] : memref<10240x64xf32, #tpu.memory_space<vmem_shared>> -> memref<640x64xf32, #tpu.memory_space<vmem_shared>>
    tpu.wait_dma2 semaphore(%arg12 : memref<!tpu.dma_semaphore, #tpu.memory_space<semaphore_mem>>) src(%dma_wait3A_35 : memref<640x64xf32, #tpu.memory_space<vmem_shared>>) dst(%dma_wait3A_33 : memref<640x64xf32, #tpu.memory_space<hbm>>)
    return
  }
}

#map = affine_map<(d0, d1) -> (0, 0)>
#map1 = affine_map<(d0, d1) -> (0)>
#map2 = affine_map<(d0, d1) -> (0, 0, 0)>
module attributes {stable_mosaic.version = 14 : i64} {
  func.func @prop(%arg0: i32, %arg1: i32, %arg2: memref<10240x128xf32, #tpu.memory_space<hbm>>, %arg3: memref<2x320000xi32, #tpu.memory_space<hbm>>, %arg4: memref<7680xi32, #tpu.memory_space<hbm>>, %arg5: memref<10240x128xf32, #tpu.memory_space<hbm>>, %arg6: memref<2x10240x128xf32, #tpu.memory_space<hbm>>, %arg7: memref<5120xi32, #tpu.memory_space<vmem>>, %arg8: memref<5120xi32, #tpu.memory_space<vmem>>, %arg9: memref<128x128xf32, #tpu.memory_space<vmem>>, %arg10: memref<128x128xf32, #tpu.memory_space<vmem>>, %arg11: memref<10240x128xf32, #tpu.memory_space<vmem_shared>>, %arg12: memref<!tpu.dma_semaphore, #tpu.memory_space<semaphore_mem>>, %arg13: memref<!tpu.dma_semaphore, #tpu.memory_space<semaphore_mem>>, %arg14: memref<!tpu.dma_semaphore, #tpu.memory_space<semaphore_mem>>) attributes {dimension_semantics = [#tpu.dimension_semantics<core_parallel>, #tpu.dimension_semantics<subcore_parallel>], iteration_bounds = array<i64: 2, 16>, scalar_prefetch = 0 : i64, scratch_operands = 8 : i64, tpu.core_type = #tpu.core_type<sc_vector_subcore>, window_params = [{transform_indices = #map}, {transform_indices = #map}, {transform_indices = #map1}, {transform_indices = #map}, {transform_indices = #map2}]} {
    %mul3A = arith.constant 2 : i32
    %mul3A_0 = arith.muli %arg1, %mul3A : i32
    %add3A = arith.addi %mul3A_0, %arg0 : i32
    %mul3A_1 = arith.constant 640 : i32
    %mul3A_2 = arith.muli %arg1, %mul3A_1 : i32
    %mul3A_3 = arith.constant 640 : i32
    %mul3A_4 = arith.muli %arg1, %mul3A_3 : i32
    %dma_start3A = arith.constant 0 : i32
    %dma_start3A_5 = tpu.memref_slice %arg11[%mul3A_4, %dma_start3A] : memref<10240x128xf32, #tpu.memory_space<vmem_shared>> -> memref<640x128xf32, #tpu.memory_space<vmem_shared>>
    %dma_start3A_6 = arith.constant 0 : i32
    %dma_start3A_7 = tpu.memref_slice %arg5[%mul3A_2, %dma_start3A_6] : memref<10240x128xf32, #tpu.memory_space<hbm>> -> memref<640x128xf32, #tpu.memory_space<hbm>>
    tpu.enqueue_dma source(%dma_start3A_7 : memref<640x128xf32, #tpu.memory_space<hbm>>) target(%dma_start3A_5 : memref<640x128xf32, #tpu.memory_space<vmem_shared>>) target_semaphore(%arg12 : memref<!tpu.dma_semaphore, #tpu.memory_space<semaphore_mem>>)
    %dma_wait3A = arith.constant 0 : i32
    %dma_wait3A_8 = tpu.memref_slice %arg11[%mul3A_4, %dma_wait3A] : memref<10240x128xf32, #tpu.memory_space<vmem_shared>> -> memref<640x128xf32, #tpu.memory_space<vmem_shared>>
    %dma_wait3A_9 = arith.constant 0 : i32
    %dma_wait3A_10 = tpu.memref_slice %arg5[%mul3A_2, %dma_wait3A_9] : memref<10240x128xf32, #tpu.memory_space<hbm>> -> memref<640x128xf32, #tpu.memory_space<hbm>>
    tpu.wait_dma2 semaphore(%arg12 : memref<!tpu.dma_semaphore, #tpu.memory_space<semaphore_mem>>) src(%dma_wait3A_10 : memref<640x128xf32, #tpu.memory_space<hbm>>) dst(%dma_wait3A_8 : memref<640x128xf32, #tpu.memory_space<vmem_shared>>)
    %barrier3A = arith.constant 0 : index
    tpu.barrier barrier_id(%barrier3A)
    %scan3A = arith.constant 0 : i32
    %scan3A_11 = arith.constant 2 : i32
    %scan3A_12 = arith.addi %scan3A, %scan3A_11 : i32
    %scan3A_13 = arith.constant 1 : i32
    scf.for %scan3A_36 = %scan3A to %scan3A_12 step %scan3A_13  : i32 {
      %mul3A_37 = arith.constant 1 : i32
      %mul3A_38 = arith.muli %scan3A_36, %mul3A_37 : i32
      %add3A_39 = arith.constant 0 : i32
      %add3A_40 = arith.addi %add3A_39, %mul3A_38 : i32
      %mul3A_41 = arith.constant 80 : i32
      %mul3A_42 = arith.muli %add3A, %mul3A_41 : i32
      %mul3A_43 = arith.constant 40 : i32
      %mul3A_44 = arith.muli %add3A_40, %mul3A_43 : i32
      %add3A_45 = arith.addi %mul3A_42, %mul3A_44 : i32
      %mul3A_46 = arith.constant 128 : i32
      %mul3A_47 = arith.muli %add3A_45, %mul3A_46 : i32
      %lt3A = arith.constant 31 : i32
      %lt3A_48 = arith.cmpi slt, %add3A, %lt3A : i32
      %convert_element_type3A = arith.extui %lt3A_48 : i1 to i32
      %cond3A = arith.constant 0 : i32
      %cond3A_49 = arith.cmpi ne, %convert_element_type3A, %cond3A : i32
      scf.if %cond3A_49 {
        %dma_start3A_79 = arith.constant 0 : i32
        %dma_start3A_80 = arith.constant 0 : i32
        %dma_start3A_81 = tpu.memref_slice %arg3[%dma_start3A_79, %dma_start3A_80] : memref<2x320000xi32, #tpu.memory_space<hbm>> -> memref<1x320000xi32, #tpu.memory_space<hbm>>
        %dma_start3A_82 = tpu.memref_squeeze %dma_start3A_81 : memref<1x320000xi32, #tpu.memory_space<hbm>> -> memref<320000xi32, #tpu.memory_space<hbm>>
        %dma_start3A_83 = tpu.memref_slice %dma_start3A_82[%mul3A_47] : memref<320000xi32, #tpu.memory_space<hbm>> -> memref<5120xi32, #tpu.memory_space<hbm>>
        %dma_start3A_84 = arith.constant 0 : i32
        %dma_start3A_85 = tpu.memref_slice %arg3[%dma_start3A_79, %dma_start3A_84] : memref<2x320000xi32, #tpu.memory_space<hbm>> -> memref<1x320000xi32, #tpu.memory_space<hbm>>
        %dma_start3A_86 = tpu.memref_squeeze %dma_start3A_85 : memref<1x320000xi32, #tpu.memory_space<hbm>> -> memref<320000xi32, #tpu.memory_space<hbm>>
        %dma_start3A_87 = tpu.memref_slice %dma_start3A_86[%mul3A_47] : memref<320000xi32, #tpu.memory_space<hbm>> -> memref<5120xi32, #tpu.memory_space<hbm>>
        tpu.enqueue_dma source(%dma_start3A_87 : memref<5120xi32, #tpu.memory_space<hbm>>) target(%arg7 : memref<5120xi32, #tpu.memory_space<vmem>>) target_semaphore(%arg12 : memref<!tpu.dma_semaphore, #tpu.memory_space<semaphore_mem>>)
        %dma_start3A_88 = arith.constant 1 : i32
        %dma_start3A_89 = arith.constant 0 : i32
        %dma_start3A_90 = tpu.memref_slice %arg3[%dma_start3A_88, %dma_start3A_89] : memref<2x320000xi32, #tpu.memory_space<hbm>> -> memref<1x320000xi32, #tpu.memory_space<hbm>>
        %dma_start3A_91 = tpu.memref_squeeze %dma_start3A_90 : memref<1x320000xi32, #tpu.memory_space<hbm>> -> memref<320000xi32, #tpu.memory_space<hbm>>
        %dma_start3A_92 = tpu.memref_slice %dma_start3A_91[%mul3A_47] : memref<320000xi32, #tpu.memory_space<hbm>> -> memref<5120xi32, #tpu.memory_space<hbm>>
        %dma_start3A_93 = arith.constant 0 : i32
        %dma_start3A_94 = tpu.memref_slice %arg3[%dma_start3A_88, %dma_start3A_93] : memref<2x320000xi32, #tpu.memory_space<hbm>> -> memref<1x320000xi32, #tpu.memory_space<hbm>>
        %dma_start3A_95 = tpu.memref_squeeze %dma_start3A_94 : memref<1x320000xi32, #tpu.memory_space<hbm>> -> memref<320000xi32, #tpu.memory_space<hbm>>
        %dma_start3A_96 = tpu.memref_slice %dma_start3A_95[%mul3A_47] : memref<320000xi32, #tpu.memory_space<hbm>> -> memref<5120xi32, #tpu.memory_space<hbm>>
        tpu.enqueue_dma source(%dma_start3A_96 : memref<5120xi32, #tpu.memory_space<hbm>>) target(%arg8 : memref<5120xi32, #tpu.memory_space<vmem>>) target_semaphore(%arg13 : memref<!tpu.dma_semaphore, #tpu.memory_space<semaphore_mem>>)
        %dma_wait3A_97 = arith.constant 0 : i32
        %dma_wait3A_98 = arith.constant 0 : i32
        %dma_wait3A_99 = tpu.memref_slice %arg3[%dma_wait3A_97, %dma_wait3A_98] : memref<2x320000xi32, #tpu.memory_space<hbm>> -> memref<1x320000xi32, #tpu.memory_space<hbm>>
        %dma_wait3A_100 = tpu.memref_squeeze %dma_wait3A_99 : memref<1x320000xi32, #tpu.memory_space<hbm>> -> memref<320000xi32, #tpu.memory_space<hbm>>
        %dma_wait3A_101 = tpu.memref_slice %dma_wait3A_100[%mul3A_47] : memref<320000xi32, #tpu.memory_space<hbm>> -> memref<5120xi32, #tpu.memory_space<hbm>>
        %dma_wait3A_102 = arith.constant 0 : i32
        %dma_wait3A_103 = tpu.memref_slice %arg3[%dma_wait3A_97, %dma_wait3A_102] : memref<2x320000xi32, #tpu.memory_space<hbm>> -> memref<1x320000xi32, #tpu.memory_space<hbm>>
        %dma_wait3A_104 = tpu.memref_squeeze %dma_wait3A_103 : memref<1x320000xi32, #tpu.memory_space<hbm>> -> memref<320000xi32, #tpu.memory_space<hbm>>
        %dma_wait3A_105 = tpu.memref_slice %dma_wait3A_104[%mul3A_47] : memref<320000xi32, #tpu.memory_space<hbm>> -> memref<5120xi32, #tpu.memory_space<hbm>>
        tpu.wait_dma2 semaphore(%arg12 : memref<!tpu.dma_semaphore, #tpu.memory_space<semaphore_mem>>) src(%dma_wait3A_105 : memref<5120xi32, #tpu.memory_space<hbm>>) dst(%arg7 : memref<5120xi32, #tpu.memory_space<vmem>>)
        %dma_wait3A_106 = arith.constant 1 : i32
        %dma_wait3A_107 = arith.constant 0 : i32
        %dma_wait3A_108 = tpu.memref_slice %arg3[%dma_wait3A_106, %dma_wait3A_107] : memref<2x320000xi32, #tpu.memory_space<hbm>> -> memref<1x320000xi32, #tpu.memory_space<hbm>>
        %dma_wait3A_109 = tpu.memref_squeeze %dma_wait3A_108 : memref<1x320000xi32, #tpu.memory_space<hbm>> -> memref<320000xi32, #tpu.memory_space<hbm>>
        %dma_wait3A_110 = tpu.memref_slice %dma_wait3A_109[%mul3A_47] : memref<320000xi32, #tpu.memory_space<hbm>> -> memref<5120xi32, #tpu.memory_space<hbm>>
        %dma_wait3A_111 = arith.constant 0 : i32
        %dma_wait3A_112 = tpu.memref_slice %arg3[%dma_wait3A_106, %dma_wait3A_111] : memref<2x320000xi32, #tpu.memory_space<hbm>> -> memref<1x320000xi32, #tpu.memory_space<hbm>>
        %dma_wait3A_113 = tpu.memref_squeeze %dma_wait3A_112 : memref<1x320000xi32, #tpu.memory_space<hbm>> -> memref<320000xi32, #tpu.memory_space<hbm>>
        %dma_wait3A_114 = tpu.memref_slice %dma_wait3A_113[%mul3A_47] : memref<320000xi32, #tpu.memory_space<hbm>> -> memref<5120xi32, #tpu.memory_space<hbm>>
        tpu.wait_dma2 semaphore(%arg13 : memref<!tpu.dma_semaphore, #tpu.memory_space<semaphore_mem>>) src(%dma_wait3A_114 : memref<5120xi32, #tpu.memory_space<hbm>>) dst(%arg8 : memref<5120xi32, #tpu.memory_space<vmem>>)
      } else {
      }
      %eq3A = arith.constant 31 : i32
      %eq3A_50 = arith.cmpi eq, %add3A, %eq3A : i32
      %eq3A_51 = arith.constant 0 : i32
      %eq3A_52 = arith.cmpi eq, %add3A_40, %eq3A_51 : i32
      %and3A = arith.andi %eq3A_50, %eq3A_52 : i1
      %convert_element_type3A_53 = arith.extui %and3A : i1 to i32
      %cond3A_54 = arith.constant 0 : i32
      %cond3A_55 = arith.cmpi ne, %convert_element_type3A_53, %cond3A_54 : i32
      scf.if %cond3A_55 {
        %dma_start3A_79 = arith.constant 0 : i32
        %dma_start3A_80 = arith.constant 0 : i32
        %dma_start3A_81 = tpu.memref_slice %arg7[%dma_start3A_80] : memref<5120xi32, #tpu.memory_space<vmem>> -> memref<2560xi32, #tpu.memory_space<vmem>>
        %dma_start3A_82 = arith.constant 0 : i32
        %dma_start3A_83 = tpu.memref_slice %arg3[%dma_start3A_79, %dma_start3A_82] : memref<2x320000xi32, #tpu.memory_space<hbm>> -> memref<1x320000xi32, #tpu.memory_space<hbm>>
        %dma_start3A_84 = tpu.memref_squeeze %dma_start3A_83 : memref<1x320000xi32, #tpu.memory_space<hbm>> -> memref<320000xi32, #tpu.memory_space<hbm>>
        %dma_start3A_85 = arith.constant 317440 : i32
        %dma_start3A_86 = tpu.memref_slice %dma_start3A_84[%dma_start3A_85] : memref<320000xi32, #tpu.memory_space<hbm>> -> memref<2560xi32, #tpu.memory_space<hbm>>
        %dma_start3A_87 = arith.constant 0 : i32
        %dma_start3A_88 = tpu.memref_slice %arg7[%dma_start3A_87] : memref<5120xi32, #tpu.memory_space<vmem>> -> memref<2560xi32, #tpu.memory_space<vmem>>
        %dma_start3A_89 = arith.constant 0 : i32
        %dma_start3A_90 = tpu.memref_slice %arg3[%dma_start3A_79, %dma_start3A_89] : memref<2x320000xi32, #tpu.memory_space<hbm>> -> memref<1x320000xi32, #tpu.memory_space<hbm>>
        %dma_start3A_91 = tpu.memref_squeeze %dma_start3A_90 : memref<1x320000xi32, #tpu.memory_space<hbm>> -> memref<320000xi32, #tpu.memory_space<hbm>>
        %dma_start3A_92 = arith.constant 317440 : i32
        %dma_start3A_93 = tpu.memref_slice %dma_start3A_91[%dma_start3A_92] : memref<320000xi32, #tpu.memory_space<hbm>> -> memref<2560xi32, #tpu.memory_space<hbm>>
        tpu.enqueue_dma source(%dma_start3A_93 : memref<2560xi32, #tpu.memory_space<hbm>>) target(%dma_start3A_88 : memref<2560xi32, #tpu.memory_space<vmem>>) target_semaphore(%arg12 : memref<!tpu.dma_semaphore, #tpu.memory_space<semaphore_mem>>)
        %dma_start3A_94 = arith.constant 2560 : i32
        %dma_start3A_95 = tpu.memref_slice %arg7[%dma_start3A_94] : memref<5120xi32, #tpu.memory_space<vmem>> -> memref<2560xi32, #tpu.memory_space<vmem>>
        %dma_start3A_96 = arith.constant 0 : i32
        %dma_start3A_97 = tpu.memref_slice %arg4[%dma_start3A_96] : memref<7680xi32, #tpu.memory_space<hbm>> -> memref<2560xi32, #tpu.memory_space<hbm>>
        %dma_start3A_98 = arith.constant 2560 : i32
        %dma_start3A_99 = tpu.memref_slice %arg7[%dma_start3A_98] : memref<5120xi32, #tpu.memory_space<vmem>> -> memref<2560xi32, #tpu.memory_space<vmem>>
        %dma_start3A_100 = arith.constant 0 : i32
        %dma_start3A_101 = tpu.memref_slice %arg4[%dma_start3A_100] : memref<7680xi32, #tpu.memory_space<hbm>> -> memref<2560xi32, #tpu.memory_space<hbm>>
        tpu.enqueue_dma source(%dma_start3A_101 : memref<2560xi32, #tpu.memory_space<hbm>>) target(%dma_start3A_99 : memref<2560xi32, #tpu.memory_space<vmem>>) target_semaphore(%arg13 : memref<!tpu.dma_semaphore, #tpu.memory_space<semaphore_mem>>)
        %dma_start3A_102 = arith.constant 1 : i32
        %dma_start3A_103 = arith.constant 0 : i32
        %dma_start3A_104 = tpu.memref_slice %arg8[%dma_start3A_103] : memref<5120xi32, #tpu.memory_space<vmem>> -> memref<2560xi32, #tpu.memory_space<vmem>>
        %dma_start3A_105 = arith.constant 0 : i32
        %dma_start3A_106 = tpu.memref_slice %arg3[%dma_start3A_102, %dma_start3A_105] : memref<2x320000xi32, #tpu.memory_space<hbm>> -> memref<1x320000xi32, #tpu.memory_space<hbm>>
        %dma_start3A_107 = tpu.memref_squeeze %dma_start3A_106 : memref<1x320000xi32, #tpu.memory_space<hbm>> -> memref<320000xi32, #tpu.memory_space<hbm>>
        %dma_start3A_108 = arith.constant 317440 : i32
        %dma_start3A_109 = tpu.memref_slice %dma_start3A_107[%dma_start3A_108] : memref<320000xi32, #tpu.memory_space<hbm>> -> memref<2560xi32, #tpu.memory_space<hbm>>
        %dma_start3A_110 = arith.constant 0 : i32
        %dma_start3A_111 = tpu.memref_slice %arg8[%dma_start3A_110] : memref<5120xi32, #tpu.memory_space<vmem>> -> memref<2560xi32, #tpu.memory_space<vmem>>
        %dma_start3A_112 = arith.constant 0 : i32
        %dma_start3A_113 = tpu.memref_slice %arg3[%dma_start3A_102, %dma_start3A_112] : memref<2x320000xi32, #tpu.memory_space<hbm>> -> memref<1x320000xi32, #tpu.memory_space<hbm>>
        %dma_start3A_114 = tpu.memref_squeeze %dma_start3A_113 : memref<1x320000xi32, #tpu.memory_space<hbm>> -> memref<320000xi32, #tpu.memory_space<hbm>>
        %dma_start3A_115 = arith.constant 317440 : i32
        %dma_start3A_116 = tpu.memref_slice %dma_start3A_114[%dma_start3A_115] : memref<320000xi32, #tpu.memory_space<hbm>> -> memref<2560xi32, #tpu.memory_space<hbm>>
        tpu.enqueue_dma source(%dma_start3A_116 : memref<2560xi32, #tpu.memory_space<hbm>>) target(%dma_start3A_111 : memref<2560xi32, #tpu.memory_space<vmem>>) target_semaphore(%arg14 : memref<!tpu.dma_semaphore, #tpu.memory_space<semaphore_mem>>)
        %dma_start3A_117 = arith.constant 2560 : i32
        %dma_start3A_118 = tpu.memref_slice %arg8[%dma_start3A_117] : memref<5120xi32, #tpu.memory_space<vmem>> -> memref<2560xi32, #tpu.memory_space<vmem>>
        %dma_start3A_119 = arith.constant 0 : i32
        %dma_start3A_120 = tpu.memref_slice %arg4[%dma_start3A_119] : memref<7680xi32, #tpu.memory_space<hbm>> -> memref<2560xi32, #tpu.memory_space<hbm>>
        %dma_start3A_121 = arith.constant 2560 : i32
        %dma_start3A_122 = tpu.memref_slice %arg8[%dma_start3A_121] : memref<5120xi32, #tpu.memory_space<vmem>> -> memref<2560xi32, #tpu.memory_space<vmem>>
        %dma_start3A_123 = arith.constant 0 : i32
        %dma_start3A_124 = tpu.memref_slice %arg4[%dma_start3A_123] : memref<7680xi32, #tpu.memory_space<hbm>> -> memref<2560xi32, #tpu.memory_space<hbm>>
        tpu.enqueue_dma source(%dma_start3A_124 : memref<2560xi32, #tpu.memory_space<hbm>>) target(%dma_start3A_122 : memref<2560xi32, #tpu.memory_space<vmem>>) target_semaphore(%arg12 : memref<!tpu.dma_semaphore, #tpu.memory_space<semaphore_mem>>)
        %dma_wait3A_125 = arith.constant 0 : i32
        %dma_wait3A_126 = arith.constant 0 : i32
        %dma_wait3A_127 = tpu.memref_slice %arg7[%dma_wait3A_126] : memref<5120xi32, #tpu.memory_space<vmem>> -> memref<2560xi32, #tpu.memory_space<vmem>>
        %dma_wait3A_128 = arith.constant 0 : i32
        %dma_wait3A_129 = tpu.memref_slice %arg3[%dma_wait3A_125, %dma_wait3A_128] : memref<2x320000xi32, #tpu.memory_space<hbm>> -> memref<1x320000xi32, #tpu.memory_space<hbm>>
        %dma_wait3A_130 = tpu.memref_squeeze %dma_wait3A_129 : memref<1x320000xi32, #tpu.memory_space<hbm>> -> memref<320000xi32, #tpu.memory_space<hbm>>
        %dma_wait3A_131 = arith.constant 317440 : i32
        %dma_wait3A_132 = tpu.memref_slice %dma_wait3A_130[%dma_wait3A_131] : memref<320000xi32, #tpu.memory_space<hbm>> -> memref<2560xi32, #tpu.memory_space<hbm>>
        %dma_wait3A_133 = arith.constant 0 : i32
        %dma_wait3A_134 = tpu.memref_slice %arg7[%dma_wait3A_133] : memref<5120xi32, #tpu.memory_space<vmem>> -> memref<2560xi32, #tpu.memory_space<vmem>>
        %dma_wait3A_135 = arith.constant 0 : i32
        %dma_wait3A_136 = tpu.memref_slice %arg3[%dma_wait3A_125, %dma_wait3A_135] : memref<2x320000xi32, #tpu.memory_space<hbm>> -> memref<1x320000xi32, #tpu.memory_space<hbm>>
        %dma_wait3A_137 = tpu.memref_squeeze %dma_wait3A_136 : memref<1x320000xi32, #tpu.memory_space<hbm>> -> memref<320000xi32, #tpu.memory_space<hbm>>
        %dma_wait3A_138 = arith.constant 317440 : i32
        %dma_wait3A_139 = tpu.memref_slice %dma_wait3A_137[%dma_wait3A_138] : memref<320000xi32, #tpu.memory_space<hbm>> -> memref<2560xi32, #tpu.memory_space<hbm>>
        tpu.wait_dma2 semaphore(%arg12 : memref<!tpu.dma_semaphore, #tpu.memory_space<semaphore_mem>>) src(%dma_wait3A_139 : memref<2560xi32, #tpu.memory_space<hbm>>) dst(%dma_wait3A_134 : memref<2560xi32, #tpu.memory_space<vmem>>)
        %dma_wait3A_140 = arith.constant 2560 : i32
        %dma_wait3A_141 = tpu.memref_slice %arg7[%dma_wait3A_140] : memref<5120xi32, #tpu.memory_space<vmem>> -> memref<2560xi32, #tpu.memory_space<vmem>>
        %dma_wait3A_142 = arith.constant 0 : i32
        %dma_wait3A_143 = tpu.memref_slice %arg4[%dma_wait3A_142] : memref<7680xi32, #tpu.memory_space<hbm>> -> memref<2560xi32, #tpu.memory_space<hbm>>
        %dma_wait3A_144 = arith.constant 2560 : i32
        %dma_wait3A_145 = tpu.memref_slice %arg7[%dma_wait3A_144] : memref<5120xi32, #tpu.memory_space<vmem>> -> memref<2560xi32, #tpu.memory_space<vmem>>
        %dma_wait3A_146 = arith.constant 0 : i32
        %dma_wait3A_147 = tpu.memref_slice %arg4[%dma_wait3A_146] : memref<7680xi32, #tpu.memory_space<hbm>> -> memref<2560xi32, #tpu.memory_space<hbm>>
        tpu.wait_dma2 semaphore(%arg13 : memref<!tpu.dma_semaphore, #tpu.memory_space<semaphore_mem>>) src(%dma_wait3A_147 : memref<2560xi32, #tpu.memory_space<hbm>>) dst(%dma_wait3A_145 : memref<2560xi32, #tpu.memory_space<vmem>>)
        %dma_wait3A_148 = arith.constant 1 : i32
        %dma_wait3A_149 = arith.constant 0 : i32
        %dma_wait3A_150 = tpu.memref_slice %arg8[%dma_wait3A_149] : memref<5120xi32, #tpu.memory_space<vmem>> -> memref<2560xi32, #tpu.memory_space<vmem>>
        %dma_wait3A_151 = arith.constant 0 : i32
        %dma_wait3A_152 = tpu.memref_slice %arg3[%dma_wait3A_148, %dma_wait3A_151] : memref<2x320000xi32, #tpu.memory_space<hbm>> -> memref<1x320000xi32, #tpu.memory_space<hbm>>
        %dma_wait3A_153 = tpu.memref_squeeze %dma_wait3A_152 : memref<1x320000xi32, #tpu.memory_space<hbm>> -> memref<320000xi32, #tpu.memory_space<hbm>>
        %dma_wait3A_154 = arith.constant 317440 : i32
        %dma_wait3A_155 = tpu.memref_slice %dma_wait3A_153[%dma_wait3A_154] : memref<320000xi32, #tpu.memory_space<hbm>> -> memref<2560xi32, #tpu.memory_space<hbm>>
        %dma_wait3A_156 = arith.constant 0 : i32
        %dma_wait3A_157 = tpu.memref_slice %arg8[%dma_wait3A_156] : memref<5120xi32, #tpu.memory_space<vmem>> -> memref<2560xi32, #tpu.memory_space<vmem>>
        %dma_wait3A_158 = arith.constant 0 : i32
        %dma_wait3A_159 = tpu.memref_slice %arg3[%dma_wait3A_148, %dma_wait3A_158] : memref<2x320000xi32, #tpu.memory_space<hbm>> -> memref<1x320000xi32, #tpu.memory_space<hbm>>
        %dma_wait3A_160 = tpu.memref_squeeze %dma_wait3A_159 : memref<1x320000xi32, #tpu.memory_space<hbm>> -> memref<320000xi32, #tpu.memory_space<hbm>>
        %dma_wait3A_161 = arith.constant 317440 : i32
        %dma_wait3A_162 = tpu.memref_slice %dma_wait3A_160[%dma_wait3A_161] : memref<320000xi32, #tpu.memory_space<hbm>> -> memref<2560xi32, #tpu.memory_space<hbm>>
        tpu.wait_dma2 semaphore(%arg14 : memref<!tpu.dma_semaphore, #tpu.memory_space<semaphore_mem>>) src(%dma_wait3A_162 : memref<2560xi32, #tpu.memory_space<hbm>>) dst(%dma_wait3A_157 : memref<2560xi32, #tpu.memory_space<vmem>>)
        %dma_wait3A_163 = arith.constant 2560 : i32
        %dma_wait3A_164 = tpu.memref_slice %arg8[%dma_wait3A_163] : memref<5120xi32, #tpu.memory_space<vmem>> -> memref<2560xi32, #tpu.memory_space<vmem>>
        %dma_wait3A_165 = arith.constant 0 : i32
        %dma_wait3A_166 = tpu.memref_slice %arg4[%dma_wait3A_165] : memref<7680xi32, #tpu.memory_space<hbm>> -> memref<2560xi32, #tpu.memory_space<hbm>>
        %dma_wait3A_167 = arith.constant 2560 : i32
        %dma_wait3A_168 = tpu.memref_slice %arg8[%dma_wait3A_167] : memref<5120xi32, #tpu.memory_space<vmem>> -> memref<2560xi32, #tpu.memory_space<vmem>>
        %dma_wait3A_169 = arith.constant 0 : i32
        %dma_wait3A_170 = tpu.memref_slice %arg4[%dma_wait3A_169] : memref<7680xi32, #tpu.memory_space<hbm>> -> memref<2560xi32, #tpu.memory_space<hbm>>
        tpu.wait_dma2 semaphore(%arg12 : memref<!tpu.dma_semaphore, #tpu.memory_space<semaphore_mem>>) src(%dma_wait3A_170 : memref<2560xi32, #tpu.memory_space<hbm>>) dst(%dma_wait3A_168 : memref<2560xi32, #tpu.memory_space<vmem>>)
      } else {
      }
      %eq3A_56 = arith.constant 31 : i32
      %eq3A_57 = arith.cmpi eq, %add3A, %eq3A_56 : i32
      %eq3A_58 = arith.constant 1 : i32
      %eq3A_59 = arith.cmpi eq, %add3A_40, %eq3A_58 : i32
      %and3A_60 = arith.andi %eq3A_57, %eq3A_59 : i1
      %convert_element_type3A_61 = arith.extui %and3A_60 : i1 to i32
      %cond3A_62 = arith.constant 0 : i32
      %cond3A_63 = arith.cmpi ne, %convert_element_type3A_61, %cond3A_62 : i32
      scf.if %cond3A_63 {
        %dma_start3A_79 = arith.constant 2560 : i32
        %dma_start3A_80 = tpu.memref_slice %arg4[%dma_start3A_79] : memref<7680xi32, #tpu.memory_space<hbm>> -> memref<5120xi32, #tpu.memory_space<hbm>>
        %dma_start3A_81 = arith.constant 2560 : i32
        %dma_start3A_82 = tpu.memref_slice %arg4[%dma_start3A_81] : memref<7680xi32, #tpu.memory_space<hbm>> -> memref<5120xi32, #tpu.memory_space<hbm>>
        tpu.enqueue_dma source(%dma_start3A_82 : memref<5120xi32, #tpu.memory_space<hbm>>) target(%arg7 : memref<5120xi32, #tpu.memory_space<vmem>>) target_semaphore(%arg12 : memref<!tpu.dma_semaphore, #tpu.memory_space<semaphore_mem>>)
        %dma_start3A_83 = arith.constant 2560 : i32
        %dma_start3A_84 = tpu.memref_slice %arg4[%dma_start3A_83] : memref<7680xi32, #tpu.memory_space<hbm>> -> memref<5120xi32, #tpu.memory_space<hbm>>
        %dma_start3A_85 = arith.constant 2560 : i32
        %dma_start3A_86 = tpu.memref_slice %arg4[%dma_start3A_85] : memref<7680xi32, #tpu.memory_space<hbm>> -> memref<5120xi32, #tpu.memory_space<hbm>>
        tpu.enqueue_dma source(%dma_start3A_86 : memref<5120xi32, #tpu.memory_space<hbm>>) target(%arg8 : memref<5120xi32, #tpu.memory_space<vmem>>) target_semaphore(%arg13 : memref<!tpu.dma_semaphore, #tpu.memory_space<semaphore_mem>>)
        %dma_wait3A_87 = arith.constant 2560 : i32
        %dma_wait3A_88 = tpu.memref_slice %arg4[%dma_wait3A_87] : memref<7680xi32, #tpu.memory_space<hbm>> -> memref<5120xi32, #tpu.memory_space<hbm>>
        %dma_wait3A_89 = arith.constant 2560 : i32
        %dma_wait3A_90 = tpu.memref_slice %arg4[%dma_wait3A_89] : memref<7680xi32, #tpu.memory_space<hbm>> -> memref<5120xi32, #tpu.memory_space<hbm>>
        tpu.wait_dma2 semaphore(%arg12 : memref<!tpu.dma_semaphore, #tpu.memory_space<semaphore_mem>>) src(%dma_wait3A_90 : memref<5120xi32, #tpu.memory_space<hbm>>) dst(%arg7 : memref<5120xi32, #tpu.memory_space<vmem>>)
        %dma_wait3A_91 = arith.constant 2560 : i32
        %dma_wait3A_92 = tpu.memref_slice %arg4[%dma_wait3A_91] : memref<7680xi32, #tpu.memory_space<hbm>> -> memref<5120xi32, #tpu.memory_space<hbm>>
        %dma_wait3A_93 = arith.constant 2560 : i32
        %dma_wait3A_94 = tpu.memref_slice %arg4[%dma_wait3A_93] : memref<7680xi32, #tpu.memory_space<hbm>> -> memref<5120xi32, #tpu.memory_space<hbm>>
        tpu.wait_dma2 semaphore(%arg13 : memref<!tpu.dma_semaphore, #tpu.memory_space<semaphore_mem>>) src(%dma_wait3A_94 : memref<5120xi32, #tpu.memory_space<hbm>>) dst(%arg8 : memref<5120xi32, #tpu.memory_space<vmem>>)
      } else {
      }
      %dma_start3A_64 = arith.constant 0 : i32
      %dma_start3A_65 = tpu.memref_slice %arg7[%dma_start3A_64] : memref<5120xi32, #tpu.memory_space<vmem>> -> memref<128xi32, #tpu.memory_space<vmem>>
      %dma_start3A_66 = arith.constant 0 : i32
      %dma_start3A_67 = arith.constant 0 : i32
      %dma_start3A_68 = tpu.memref_slice %arg2[%dma_start3A_66, %dma_start3A_67] : memref<10240x128xf32, #tpu.memory_space<hbm>> -> memref<10240x128xf32, #tpu.memory_space<hbm>>
      tpu.enqueue_indirect_dma source(%dma_start3A_68 : memref<10240x128xf32, #tpu.memory_space<hbm>>) target(%arg9 : memref<128x128xf32, #tpu.memory_space<vmem>>) offsets(%dma_start3A_65 : memref<128xi32, #tpu.memory_space<vmem>>) semaphore(%arg13 : memref<!tpu.dma_semaphore, #tpu.memory_space<semaphore_mem>>)
      %dma_start3A_69 = arith.constant 128 : i32
      %dma_start3A_70 = tpu.memref_slice %arg7[%dma_start3A_69] : memref<5120xi32, #tpu.memory_space<vmem>> -> memref<128xi32, #tpu.memory_space<vmem>>
      %dma_start3A_71 = arith.constant 0 : i32
      %dma_start3A_72 = arith.constant 0 : i32
      %dma_start3A_73 = tpu.memref_slice %arg2[%dma_start3A_71, %dma_start3A_72] : memref<10240x128xf32, #tpu.memory_space<hbm>> -> memref<10240x128xf32, #tpu.memory_space<hbm>>
      tpu.enqueue_indirect_dma source(%dma_start3A_73 : memref<10240x128xf32, #tpu.memory_space<hbm>>) target(%arg10 : memref<128x128xf32, #tpu.memory_space<vmem>>) offsets(%dma_start3A_70 : memref<128xi32, #tpu.memory_space<vmem>>) semaphore(%arg14 : memref<!tpu.dma_semaphore, #tpu.memory_space<semaphore_mem>>)
      %scan3A_74 = arith.constant 0 : i32
      %scan3A_75 = arith.constant 20 : i32
      %scan3A_76 = arith.addi %scan3A_74, %scan3A_75 : i32
      %scan3A_77 = arith.constant 1 : i32
      scf.for %scan3A_79 = %scan3A_74 to %scan3A_76 step %scan3A_77  : i32 {
        %mul3A_80 = arith.constant 2 : i32
        %mul3A_81 = arith.muli %scan3A_79, %mul3A_80 : i32
        %add3A_82 = arith.constant 0 : i32
        %add3A_83 = arith.addi %add3A_82, %mul3A_81 : i32
        %mul3A_84 = arith.constant 128 : i32
        %mul3A_85 = arith.muli %add3A_83, %mul3A_84 : i32
        %dma_wait3A_86 = tpu.memref_slice %arg7[%mul3A_85] : memref<5120xi32, #tpu.memory_space<vmem>> -> memref<128xi32, #tpu.memory_space<vmem>>
        %dma_wait3A_87 = arith.constant 0 : i32
        %dma_wait3A_88 = arith.constant 0 : i32
        %dma_wait3A_89 = tpu.memref_slice %arg2[%dma_wait3A_87, %dma_wait3A_88] : memref<10240x128xf32, #tpu.memory_space<hbm>> -> memref<10240x128xf32, #tpu.memory_space<hbm>>
        tpu.wait_indirect_dma semaphore(%arg13 : memref<!tpu.dma_semaphore, #tpu.memory_space<semaphore_mem>>) src(%dma_wait3A_89 : memref<10240x128xf32, #tpu.memory_space<hbm>>) dst(%arg9 : memref<128x128xf32, #tpu.memory_space<vmem>>)
        %mul3A_90 = arith.constant 128 : i32
        %mul3A_91 = arith.muli %add3A_83, %mul3A_90 : i32
        "tpu.region"() ({
          %run_scoped3A = tpu.sem_alloc : memref<!tpu.dma_semaphore, #tpu.memory_space<semaphore_mem>>
          %dma_start3A_118 = tpu.memref_slice %arg8[%mul3A_91] : memref<5120xi32, #tpu.memory_space<vmem>> -> memref<128xi32, #tpu.memory_space<vmem>>
          %dma_start3A_119 = arith.constant 0 : i32
          %dma_start3A_120 = arith.constant 0 : i32
          %dma_start3A_121 = tpu.memref_slice %arg11[%dma_start3A_119, %dma_start3A_120] : memref<10240x128xf32, #tpu.memory_space<vmem_shared>> -> memref<10240x128xf32, #tpu.memory_space<vmem_shared>>
          tpu.enqueue_indirect_dma source(%arg9 : memref<128x128xf32, #tpu.memory_space<vmem>>) target(%dma_start3A_121 : memref<10240x128xf32, #tpu.memory_space<vmem_shared>>) offsets(%dma_start3A_118 : memref<128xi32, #tpu.memory_space<vmem>>) semaphore(%run_scoped3A : memref<!tpu.dma_semaphore, #tpu.memory_space<semaphore_mem>>) {add = true}
          %dma_wait3A_122 = tpu.memref_slice %arg8[%mul3A_91] : memref<5120xi32, #tpu.memory_space<vmem>> -> memref<128xi32, #tpu.memory_space<vmem>>
          %dma_wait3A_123 = arith.constant 0 : i32
          %dma_wait3A_124 = arith.constant 0 : i32
          %dma_wait3A_125 = tpu.memref_slice %arg11[%dma_wait3A_123, %dma_wait3A_124] : memref<10240x128xf32, #tpu.memory_space<vmem_shared>> -> memref<10240x128xf32, #tpu.memory_space<vmem_shared>>
          tpu.wait_indirect_dma semaphore(%run_scoped3A : memref<!tpu.dma_semaphore, #tpu.memory_space<semaphore_mem>>) src(%arg9 : memref<128x128xf32, #tpu.memory_space<vmem>>) dst(%dma_wait3A_125 : memref<10240x128xf32, #tpu.memory_space<vmem_shared>>)
          tpu.yield
        }) : () -> ()
        %add3A_92 = arith.constant 2 : i32
        %add3A_93 = arith.addi %add3A_83, %add3A_92 : i32
        %lt3A_94 = arith.constant 40 : i32
        %lt3A_95 = arith.cmpi slt, %add3A_93, %lt3A_94 : i32
        %convert_element_type3A_96 = arith.extui %lt3A_95 : i1 to i32
        %cond3A_97 = arith.constant 0 : i32
        %cond3A_98 = arith.cmpi ne, %convert_element_type3A_96, %cond3A_97 : i32
        scf.if %cond3A_98 {
          %add3A_118 = arith.constant 2 : i32
          %add3A_119 = arith.addi %add3A_83, %add3A_118 : i32
          %mul3A_120 = arith.constant 128 : i32
          %mul3A_121 = arith.muli %add3A_119, %mul3A_120 : i32
          %dma_start3A_122 = tpu.memref_slice %arg7[%mul3A_121] : memref<5120xi32, #tpu.memory_space<vmem>> -> memref<128xi32, #tpu.memory_space<vmem>>
          %dma_start3A_123 = arith.constant 0 : i32
          %dma_start3A_124 = arith.constant 0 : i32
          %dma_start3A_125 = tpu.memref_slice %arg2[%dma_start3A_123, %dma_start3A_124] : memref<10240x128xf32, #tpu.memory_space<hbm>> -> memref<10240x128xf32, #tpu.memory_space<hbm>>
          tpu.enqueue_indirect_dma source(%dma_start3A_125 : memref<10240x128xf32, #tpu.memory_space<hbm>>) target(%arg9 : memref<128x128xf32, #tpu.memory_space<vmem>>) offsets(%dma_start3A_122 : memref<128xi32, #tpu.memory_space<vmem>>) semaphore(%arg13 : memref<!tpu.dma_semaphore, #tpu.memory_space<semaphore_mem>>)
        } else {
        }
        %add3A_99 = arith.constant 1 : i32
        %add3A_100 = arith.addi %add3A_83, %add3A_99 : i32
        %mul3A_101 = arith.constant 128 : i32
        %mul3A_102 = arith.muli %add3A_100, %mul3A_101 : i32
        %dma_wait3A_103 = tpu.memref_slice %arg7[%mul3A_102] : memref<5120xi32, #tpu.memory_space<vmem>> -> memref<128xi32, #tpu.memory_space<vmem>>
        %dma_wait3A_104 = arith.constant 0 : i32
        %dma_wait3A_105 = arith.constant 0 : i32
        %dma_wait3A_106 = tpu.memref_slice %arg2[%dma_wait3A_104, %dma_wait3A_105] : memref<10240x128xf32, #tpu.memory_space<hbm>> -> memref<10240x128xf32, #tpu.memory_space<hbm>>
        tpu.wait_indirect_dma semaphore(%arg14 : memref<!tpu.dma_semaphore, #tpu.memory_space<semaphore_mem>>) src(%dma_wait3A_106 : memref<10240x128xf32, #tpu.memory_space<hbm>>) dst(%arg10 : memref<128x128xf32, #tpu.memory_space<vmem>>)
        %add3A_107 = arith.constant 1 : i32
        %add3A_108 = arith.addi %add3A_83, %add3A_107 : i32
        %mul3A_109 = arith.constant 128 : i32
        %mul3A_110 = arith.muli %add3A_108, %mul3A_109 : i32
        "tpu.region"() ({
          %run_scoped3A = tpu.sem_alloc : memref<!tpu.dma_semaphore, #tpu.memory_space<semaphore_mem>>
          %dma_start3A_118 = tpu.memref_slice %arg8[%mul3A_110] : memref<5120xi32, #tpu.memory_space<vmem>> -> memref<128xi32, #tpu.memory_space<vmem>>
          %dma_start3A_119 = arith.constant 0 : i32
          %dma_start3A_120 = arith.constant 0 : i32
          %dma_start3A_121 = tpu.memref_slice %arg11[%dma_start3A_119, %dma_start3A_120] : memref<10240x128xf32, #tpu.memory_space<vmem_shared>> -> memref<10240x128xf32, #tpu.memory_space<vmem_shared>>
          tpu.enqueue_indirect_dma source(%arg10 : memref<128x128xf32, #tpu.memory_space<vmem>>) target(%dma_start3A_121 : memref<10240x128xf32, #tpu.memory_space<vmem_shared>>) offsets(%dma_start3A_118 : memref<128xi32, #tpu.memory_space<vmem>>) semaphore(%run_scoped3A : memref<!tpu.dma_semaphore, #tpu.memory_space<semaphore_mem>>) {add = true}
          %dma_wait3A_122 = tpu.memref_slice %arg8[%mul3A_110] : memref<5120xi32, #tpu.memory_space<vmem>> -> memref<128xi32, #tpu.memory_space<vmem>>
          %dma_wait3A_123 = arith.constant 0 : i32
          %dma_wait3A_124 = arith.constant 0 : i32
          %dma_wait3A_125 = tpu.memref_slice %arg11[%dma_wait3A_123, %dma_wait3A_124] : memref<10240x128xf32, #tpu.memory_space<vmem_shared>> -> memref<10240x128xf32, #tpu.memory_space<vmem_shared>>
          tpu.wait_indirect_dma semaphore(%run_scoped3A : memref<!tpu.dma_semaphore, #tpu.memory_space<semaphore_mem>>) src(%arg10 : memref<128x128xf32, #tpu.memory_space<vmem>>) dst(%dma_wait3A_125 : memref<10240x128xf32, #tpu.memory_space<vmem_shared>>)
          tpu.yield
        }) : () -> ()
        %add3A_111 = arith.constant 3 : i32
        %add3A_112 = arith.addi %add3A_83, %add3A_111 : i32
        %lt3A_113 = arith.constant 40 : i32
        %lt3A_114 = arith.cmpi slt, %add3A_112, %lt3A_113 : i32
        %convert_element_type3A_115 = arith.extui %lt3A_114 : i1 to i32
        %cond3A_116 = arith.constant 0 : i32
        %cond3A_117 = arith.cmpi ne, %convert_element_type3A_115, %cond3A_116 : i32
        scf.if %cond3A_117 {
          %add3A_118 = arith.constant 3 : i32
          %add3A_119 = arith.addi %add3A_83, %add3A_118 : i32
          %mul3A_120 = arith.constant 128 : i32
          %mul3A_121 = arith.muli %add3A_119, %mul3A_120 : i32
          %dma_start3A_122 = tpu.memref_slice %arg7[%mul3A_121] : memref<5120xi32, #tpu.memory_space<vmem>> -> memref<128xi32, #tpu.memory_space<vmem>>
          %dma_start3A_123 = arith.constant 0 : i32
          %dma_start3A_124 = arith.constant 0 : i32
          %dma_start3A_125 = tpu.memref_slice %arg2[%dma_start3A_123, %dma_start3A_124] : memref<10240x128xf32, #tpu.memory_space<hbm>> -> memref<10240x128xf32, #tpu.memory_space<hbm>>
          tpu.enqueue_indirect_dma source(%dma_start3A_125 : memref<10240x128xf32, #tpu.memory_space<hbm>>) target(%arg10 : memref<128x128xf32, #tpu.memory_space<vmem>>) offsets(%dma_start3A_122 : memref<128xi32, #tpu.memory_space<vmem>>) semaphore(%arg14 : memref<!tpu.dma_semaphore, #tpu.memory_space<semaphore_mem>>)
        } else {
        }
      }
      %scan3A_78 = arith.constant 20 : i32
    }
    %scan3A_14 = arith.constant 2 : i32
    %barrier3A_15 = arith.constant 0 : index
    tpu.barrier barrier_id(%barrier3A_15)
    %mul3A_16 = arith.constant 640 : i32
    %mul3A_17 = arith.muli %arg1, %mul3A_16 : i32
    %mul3A_18 = arith.constant 640 : i32
    %mul3A_19 = arith.muli %arg1, %mul3A_18 : i32
    %dma_start3A_20 = arith.constant 0 : i32
    %dma_start3A_21 = arith.constant 0 : i32
    %dma_start3A_22 = tpu.memref_slice %arg6[%arg0, %dma_start3A_20, %dma_start3A_21] : memref<2x10240x128xf32, #tpu.memory_space<hbm>> -> memref<1x10240x128xf32, #tpu.memory_space<hbm>>
    %dma_start3A_23 = tpu.memref_squeeze %dma_start3A_22 : memref<1x10240x128xf32, #tpu.memory_space<hbm>> -> memref<10240x128xf32, #tpu.memory_space<hbm>>
    %dma_start3A_24 = arith.constant 0 : i32
    %dma_start3A_25 = tpu.memref_slice %dma_start3A_23[%mul3A_19, %dma_start3A_24] : memref<10240x128xf32, #tpu.memory_space<hbm>> -> memref<640x128xf32, #tpu.memory_space<hbm>>
    %dma_start3A_26 = arith.constant 0 : i32
    %dma_start3A_27 = tpu.memref_slice %arg11[%mul3A_17, %dma_start3A_26] : memref<10240x128xf32, #tpu.memory_space<vmem_shared>> -> memref<640x128xf32, #tpu.memory_space<vmem_shared>>
    tpu.enqueue_dma source(%dma_start3A_27 : memref<640x128xf32, #tpu.memory_space<vmem_shared>>) target(%dma_start3A_25 : memref<640x128xf32, #tpu.memory_space<hbm>>) target_semaphore(%arg12 : memref<!tpu.dma_semaphore, #tpu.memory_space<semaphore_mem>>)
    %dma_wait3A_28 = arith.constant 0 : i32
    %dma_wait3A_29 = arith.constant 0 : i32
    %dma_wait3A_30 = tpu.memref_slice %arg6[%arg0, %dma_wait3A_28, %dma_wait3A_29] : memref<2x10240x128xf32, #tpu.memory_space<hbm>> -> memref<1x10240x128xf32, #tpu.memory_space<hbm>>
    %dma_wait3A_31 = tpu.memref_squeeze %dma_wait3A_30 : memref<1x10240x128xf32, #tpu.memory_space<hbm>> -> memref<10240x128xf32, #tpu.memory_space<hbm>>
    %dma_wait3A_32 = arith.constant 0 : i32
    %dma_wait3A_33 = tpu.memref_slice %dma_wait3A_31[%mul3A_19, %dma_wait3A_32] : memref<10240x128xf32, #tpu.memory_space<hbm>> -> memref<640x128xf32, #tpu.memory_space<hbm>>
    %dma_wait3A_34 = arith.constant 0 : i32
    %dma_wait3A_35 = tpu.memref_slice %arg11[%mul3A_17, %dma_wait3A_34] : memref<10240x128xf32, #tpu.memory_space<vmem_shared>> -> memref<640x128xf32, #tpu.memory_space<vmem_shared>>
    tpu.wait_dma2 semaphore(%arg12 : memref<!tpu.dma_semaphore, #tpu.memory_space<semaphore_mem>>) src(%dma_wait3A_35 : memref<640x128xf32, #tpu.memory_space<vmem_shared>>) dst(%dma_wait3A_33 : memref<640x128xf32, #tpu.memory_space<hbm>>)
    return
  }
}

#map = affine_map<(d0, d1) -> (0, 0)>
#map1 = affine_map<(d0, d1) -> (0)>
module attributes {stable_mosaic.version = 14 : i64} {
  func.func @_degree(%arg0: i32, %arg1: i32, %arg2: memref<2x320000xi32, #tpu.memory_space<hbm>>, %arg3: memref<7680xi32, #tpu.memory_space<hbm>>, %arg4: memref<128xf32, #tpu.memory_space<hbm>>, %arg5: memref<10240xf32, #tpu.memory_space<hbm>>, %arg6: memref<2x10240xf32, #tpu.memory_space<hbm>>, %arg7: memref<10240xi32, #tpu.memory_space<vmem>>, %arg8: memref<128xf32, #tpu.memory_space<vmem>>, %arg9: memref<10240xf32, #tpu.memory_space<vmem_shared>>, %arg10: memref<!tpu.dma_semaphore, #tpu.memory_space<semaphore_mem>>) attributes {dimension_semantics = [#tpu.dimension_semantics<core_parallel>, #tpu.dimension_semantics<subcore_parallel>], iteration_bounds = array<i64: 2, 16>, scalar_prefetch = 0 : i64, scratch_operands = 4 : i64, tpu.core_type = #tpu.core_type<sc_vector_subcore>, window_params = [{transform_indices = #map}, {transform_indices = #map1}, {transform_indices = #map1}, {transform_indices = #map1}, {transform_indices = #map}]} {
    %mul3A = arith.constant 2 : i32
    %mul3A_0 = arith.muli %arg1, %mul3A : i32
    %add3A = arith.addi %mul3A_0, %arg0 : i32
    %lt3A = arith.constant 31 : i32
    %lt3A_1 = arith.cmpi slt, %add3A, %lt3A : i32
    %convert_element_type3A = arith.extui %lt3A_1 : i1 to i32
    %cond3A = arith.constant 0 : i32
    %cond3A_2 = arith.cmpi ne, %convert_element_type3A, %cond3A : i32
    scf.if %cond3A_2 {
      %mul3A_32 = arith.constant 10240 : i32
      %mul3A_33 = arith.muli %add3A, %mul3A_32 : i32
      %dma_start3A_34 = arith.constant 1 : i32
      %dma_start3A_35 = arith.constant 0 : i32
      %dma_start3A_36 = tpu.memref_slice %arg2[%dma_start3A_34, %dma_start3A_35] : memref<2x320000xi32, #tpu.memory_space<hbm>> -> memref<1x320000xi32, #tpu.memory_space<hbm>>
      %dma_start3A_37 = tpu.memref_squeeze %dma_start3A_36 : memref<1x320000xi32, #tpu.memory_space<hbm>> -> memref<320000xi32, #tpu.memory_space<hbm>>
      %dma_start3A_38 = tpu.memref_slice %dma_start3A_37[%mul3A_33] : memref<320000xi32, #tpu.memory_space<hbm>> -> memref<10240xi32, #tpu.memory_space<hbm>>
      %dma_start3A_39 = arith.constant 0 : i32
      %dma_start3A_40 = tpu.memref_slice %arg2[%dma_start3A_34, %dma_start3A_39] : memref<2x320000xi32, #tpu.memory_space<hbm>> -> memref<1x320000xi32, #tpu.memory_space<hbm>>
      %dma_start3A_41 = tpu.memref_squeeze %dma_start3A_40 : memref<1x320000xi32, #tpu.memory_space<hbm>> -> memref<320000xi32, #tpu.memory_space<hbm>>
      %dma_start3A_42 = tpu.memref_slice %dma_start3A_41[%mul3A_33] : memref<320000xi32, #tpu.memory_space<hbm>> -> memref<10240xi32, #tpu.memory_space<hbm>>
      tpu.enqueue_dma source(%dma_start3A_42 : memref<10240xi32, #tpu.memory_space<hbm>>) target(%arg7 : memref<10240xi32, #tpu.memory_space<vmem>>) target_semaphore(%arg10 : memref<!tpu.dma_semaphore, #tpu.memory_space<semaphore_mem>>)
      %dma_wait3A_43 = arith.constant 1 : i32
      %dma_wait3A_44 = arith.constant 0 : i32
      %dma_wait3A_45 = tpu.memref_slice %arg2[%dma_wait3A_43, %dma_wait3A_44] : memref<2x320000xi32, #tpu.memory_space<hbm>> -> memref<1x320000xi32, #tpu.memory_space<hbm>>
      %dma_wait3A_46 = tpu.memref_squeeze %dma_wait3A_45 : memref<1x320000xi32, #tpu.memory_space<hbm>> -> memref<320000xi32, #tpu.memory_space<hbm>>
      %dma_wait3A_47 = tpu.memref_slice %dma_wait3A_46[%mul3A_33] : memref<320000xi32, #tpu.memory_space<hbm>> -> memref<10240xi32, #tpu.memory_space<hbm>>
      %dma_wait3A_48 = arith.constant 0 : i32
      %dma_wait3A_49 = tpu.memref_slice %arg2[%dma_wait3A_43, %dma_wait3A_48] : memref<2x320000xi32, #tpu.memory_space<hbm>> -> memref<1x320000xi32, #tpu.memory_space<hbm>>
      %dma_wait3A_50 = tpu.memref_squeeze %dma_wait3A_49 : memref<1x320000xi32, #tpu.memory_space<hbm>> -> memref<320000xi32, #tpu.memory_space<hbm>>
      %dma_wait3A_51 = tpu.memref_slice %dma_wait3A_50[%mul3A_33] : memref<320000xi32, #tpu.memory_space<hbm>> -> memref<10240xi32, #tpu.memory_space<hbm>>
      tpu.wait_dma2 semaphore(%arg10 : memref<!tpu.dma_semaphore, #tpu.memory_space<semaphore_mem>>) src(%dma_wait3A_51 : memref<10240xi32, #tpu.memory_space<hbm>>) dst(%arg7 : memref<10240xi32, #tpu.memory_space<vmem>>)
    } else {
    }
    %eq3A = arith.constant 31 : i32
    %eq3A_3 = arith.cmpi eq, %add3A, %eq3A : i32
    %convert_element_type3A_4 = arith.extui %eq3A_3 : i1 to i32
    %cond3A_5 = arith.constant 0 : i32
    %cond3A_6 = arith.cmpi ne, %convert_element_type3A_4, %cond3A_5 : i32
    scf.if %cond3A_6 {
      %dma_start3A_32 = arith.constant 1 : i32
      %dma_start3A_33 = arith.constant 0 : i32
      %dma_start3A_34 = tpu.memref_slice %arg7[%dma_start3A_33] : memref<10240xi32, #tpu.memory_space<vmem>> -> memref<2560xi32, #tpu.memory_space<vmem>>
      %dma_start3A_35 = arith.constant 0 : i32
      %dma_start3A_36 = tpu.memref_slice %arg2[%dma_start3A_32, %dma_start3A_35] : memref<2x320000xi32, #tpu.memory_space<hbm>> -> memref<1x320000xi32, #tpu.memory_space<hbm>>
      %dma_start3A_37 = tpu.memref_squeeze %dma_start3A_36 : memref<1x320000xi32, #tpu.memory_space<hbm>> -> memref<320000xi32, #tpu.memory_space<hbm>>
      %dma_start3A_38 = arith.constant 317440 : i32
      %dma_start3A_39 = tpu.memref_slice %dma_start3A_37[%dma_start3A_38] : memref<320000xi32, #tpu.memory_space<hbm>> -> memref<2560xi32, #tpu.memory_space<hbm>>
      %dma_start3A_40 = arith.constant 0 : i32
      %dma_start3A_41 = tpu.memref_slice %arg7[%dma_start3A_40] : memref<10240xi32, #tpu.memory_space<vmem>> -> memref<2560xi32, #tpu.memory_space<vmem>>
      %dma_start3A_42 = arith.constant 0 : i32
      %dma_start3A_43 = tpu.memref_slice %arg2[%dma_start3A_32, %dma_start3A_42] : memref<2x320000xi32, #tpu.memory_space<hbm>> -> memref<1x320000xi32, #tpu.memory_space<hbm>>
      %dma_start3A_44 = tpu.memref_squeeze %dma_start3A_43 : memref<1x320000xi32, #tpu.memory_space<hbm>> -> memref<320000xi32, #tpu.memory_space<hbm>>
      %dma_start3A_45 = arith.constant 317440 : i32
      %dma_start3A_46 = tpu.memref_slice %dma_start3A_44[%dma_start3A_45] : memref<320000xi32, #tpu.memory_space<hbm>> -> memref<2560xi32, #tpu.memory_space<hbm>>
      tpu.enqueue_dma source(%dma_start3A_46 : memref<2560xi32, #tpu.memory_space<hbm>>) target(%dma_start3A_41 : memref<2560xi32, #tpu.memory_space<vmem>>) target_semaphore(%arg10 : memref<!tpu.dma_semaphore, #tpu.memory_space<semaphore_mem>>)
      %dma_start3A_47 = arith.constant 2560 : i32
      %dma_start3A_48 = tpu.memref_slice %arg7[%dma_start3A_47] : memref<10240xi32, #tpu.memory_space<vmem>> -> memref<7680xi32, #tpu.memory_space<vmem>>
      %dma_start3A_49 = arith.constant 2560 : i32
      %dma_start3A_50 = tpu.memref_slice %arg7[%dma_start3A_49] : memref<10240xi32, #tpu.memory_space<vmem>> -> memref<7680xi32, #tpu.memory_space<vmem>>
      tpu.enqueue_dma source(%arg3 : memref<7680xi32, #tpu.memory_space<hbm>>) target(%dma_start3A_50 : memref<7680xi32, #tpu.memory_space<vmem>>) target_semaphore(%arg10 : memref<!tpu.dma_semaphore, #tpu.memory_space<semaphore_mem>>)
      %dma_wait3A_51 = arith.constant 1 : i32
      %dma_wait3A_52 = arith.constant 0 : i32
      %dma_wait3A_53 = tpu.memref_slice %arg7[%dma_wait3A_52] : memref<10240xi32, #tpu.memory_space<vmem>> -> memref<2560xi32, #tpu.memory_space<vmem>>
      %dma_wait3A_54 = arith.constant 0 : i32
      %dma_wait3A_55 = tpu.memref_slice %arg2[%dma_wait3A_51, %dma_wait3A_54] : memref<2x320000xi32, #tpu.memory_space<hbm>> -> memref<1x320000xi32, #tpu.memory_space<hbm>>
      %dma_wait3A_56 = tpu.memref_squeeze %dma_wait3A_55 : memref<1x320000xi32, #tpu.memory_space<hbm>> -> memref<320000xi32, #tpu.memory_space<hbm>>
      %dma_wait3A_57 = arith.constant 317440 : i32
      %dma_wait3A_58 = tpu.memref_slice %dma_wait3A_56[%dma_wait3A_57] : memref<320000xi32, #tpu.memory_space<hbm>> -> memref<2560xi32, #tpu.memory_space<hbm>>
      %dma_wait3A_59 = arith.constant 0 : i32
      %dma_wait3A_60 = tpu.memref_slice %arg7[%dma_wait3A_59] : memref<10240xi32, #tpu.memory_space<vmem>> -> memref<2560xi32, #tpu.memory_space<vmem>>
      %dma_wait3A_61 = arith.constant 0 : i32
      %dma_wait3A_62 = tpu.memref_slice %arg2[%dma_wait3A_51, %dma_wait3A_61] : memref<2x320000xi32, #tpu.memory_space<hbm>> -> memref<1x320000xi32, #tpu.memory_space<hbm>>
      %dma_wait3A_63 = tpu.memref_squeeze %dma_wait3A_62 : memref<1x320000xi32, #tpu.memory_space<hbm>> -> memref<320000xi32, #tpu.memory_space<hbm>>
      %dma_wait3A_64 = arith.constant 317440 : i32
      %dma_wait3A_65 = tpu.memref_slice %dma_wait3A_63[%dma_wait3A_64] : memref<320000xi32, #tpu.memory_space<hbm>> -> memref<2560xi32, #tpu.memory_space<hbm>>
      tpu.wait_dma2 semaphore(%arg10 : memref<!tpu.dma_semaphore, #tpu.memory_space<semaphore_mem>>) src(%dma_wait3A_65 : memref<2560xi32, #tpu.memory_space<hbm>>) dst(%dma_wait3A_60 : memref<2560xi32, #tpu.memory_space<vmem>>)
      %dma_wait3A_66 = arith.constant 2560 : i32
      %dma_wait3A_67 = tpu.memref_slice %arg7[%dma_wait3A_66] : memref<10240xi32, #tpu.memory_space<vmem>> -> memref<7680xi32, #tpu.memory_space<vmem>>
      %dma_wait3A_68 = arith.constant 2560 : i32
      %dma_wait3A_69 = tpu.memref_slice %arg7[%dma_wait3A_68] : memref<10240xi32, #tpu.memory_space<vmem>> -> memref<7680xi32, #tpu.memory_space<vmem>>
      tpu.wait_dma2 semaphore(%arg10 : memref<!tpu.dma_semaphore, #tpu.memory_space<semaphore_mem>>) src(%arg3 : memref<7680xi32, #tpu.memory_space<hbm>>) dst(%dma_wait3A_69 : memref<7680xi32, #tpu.memory_space<vmem>>)
    } else {
    }
    tpu.enqueue_dma source(%arg4 : memref<128xf32, #tpu.memory_space<hbm>>) target(%arg8 : memref<128xf32, #tpu.memory_space<vmem>>) target_semaphore(%arg10 : memref<!tpu.dma_semaphore, #tpu.memory_space<semaphore_mem>>)
    tpu.wait_dma2 semaphore(%arg10 : memref<!tpu.dma_semaphore, #tpu.memory_space<semaphore_mem>>) src(%arg4 : memref<128xf32, #tpu.memory_space<hbm>>) dst(%arg8 : memref<128xf32, #tpu.memory_space<vmem>>)
    %mul3A_7 = arith.constant 640 : i32
    %mul3A_8 = arith.muli %arg1, %mul3A_7 : i32
    %mul3A_9 = arith.constant 640 : i32
    %mul3A_10 = arith.muli %arg1, %mul3A_9 : i32
    %dma_start3A = tpu.memref_slice %arg9[%mul3A_10] : memref<10240xf32, #tpu.memory_space<vmem_shared>> -> memref<640xf32, #tpu.memory_space<vmem_shared>>
    %dma_start3A_11 = tpu.memref_slice %arg5[%mul3A_8] : memref<10240xf32, #tpu.memory_space<hbm>> -> memref<640xf32, #tpu.memory_space<hbm>>
    tpu.enqueue_dma source(%dma_start3A_11 : memref<640xf32, #tpu.memory_space<hbm>>) target(%dma_start3A : memref<640xf32, #tpu.memory_space<vmem_shared>>) target_semaphore(%arg10 : memref<!tpu.dma_semaphore, #tpu.memory_space<semaphore_mem>>)
    %dma_wait3A = tpu.memref_slice %arg9[%mul3A_10] : memref<10240xf32, #tpu.memory_space<vmem_shared>> -> memref<640xf32, #tpu.memory_space<vmem_shared>>
    %dma_wait3A_12 = tpu.memref_slice %arg5[%mul3A_8] : memref<10240xf32, #tpu.memory_space<hbm>> -> memref<640xf32, #tpu.memory_space<hbm>>
    tpu.wait_dma2 semaphore(%arg10 : memref<!tpu.dma_semaphore, #tpu.memory_space<semaphore_mem>>) src(%dma_wait3A_12 : memref<640xf32, #tpu.memory_space<hbm>>) dst(%dma_wait3A : memref<640xf32, #tpu.memory_space<vmem_shared>>)
    %barrier3A = arith.constant 0 : index
    tpu.barrier barrier_id(%barrier3A)
    %scan3A = arith.constant 0 : i32
    %scan3A_13 = arith.constant 80 : i32
    %scan3A_14 = arith.addi %scan3A, %scan3A_13 : i32
    %scan3A_15 = arith.constant 1 : i32
    scf.for %scan3A_32 = %scan3A to %scan3A_14 step %scan3A_15  : i32 {
      %mul3A_33 = arith.constant 1 : i32
      %mul3A_34 = arith.muli %scan3A_32, %mul3A_33 : i32
      %add3A_35 = arith.constant 0 : i32
      %add3A_36 = arith.addi %add3A_35, %mul3A_34 : i32
      %mul3A_37 = arith.constant 128 : i32
      %mul3A_38 = arith.muli %add3A_36, %mul3A_37 : i32
      "tpu.region"() ({
        %run_scoped3A = tpu.sem_alloc : memref<!tpu.dma_semaphore, #tpu.memory_space<semaphore_mem>>
        %dma_start3A_39 = tpu.memref_slice %arg7[%mul3A_38] : memref<10240xi32, #tpu.memory_space<vmem>> -> memref<128xi32, #tpu.memory_space<vmem>>
        %dma_start3A_40 = arith.constant 0 : i32
        %dma_start3A_41 = tpu.memref_slice %arg9[%dma_start3A_40] : memref<10240xf32, #tpu.memory_space<vmem_shared>> -> memref<10240xf32, #tpu.memory_space<vmem_shared>>
        tpu.enqueue_indirect_dma source(%arg8 : memref<128xf32, #tpu.memory_space<vmem>>) target(%dma_start3A_41 : memref<10240xf32, #tpu.memory_space<vmem_shared>>) offsets(%dma_start3A_39 : memref<128xi32, #tpu.memory_space<vmem>>) semaphore(%run_scoped3A : memref<!tpu.dma_semaphore, #tpu.memory_space<semaphore_mem>>) {add = true}
        %dma_wait3A_42 = tpu.memref_slice %arg7[%mul3A_38] : memref<10240xi32, #tpu.memory_space<vmem>> -> memref<128xi32, #tpu.memory_space<vmem>>
        %dma_wait3A_43 = arith.constant 0 : i32
        %dma_wait3A_44 = tpu.memref_slice %arg9[%dma_wait3A_43] : memref<10240xf32, #tpu.memory_space<vmem_shared>> -> memref<10240xf32, #tpu.memory_space<vmem_shared>>
        tpu.wait_indirect_dma semaphore(%run_scoped3A : memref<!tpu.dma_semaphore, #tpu.memory_space<semaphore_mem>>) src(%arg8 : memref<128xf32, #tpu.memory_space<vmem>>) dst(%dma_wait3A_44 : memref<10240xf32, #tpu.memory_space<vmem_shared>>)
        tpu.yield
      }) : () -> ()
    }
    %scan3A_16 = arith.constant 80 : i32
    %barrier3A_17 = arith.constant 0 : index
    tpu.barrier barrier_id(%barrier3A_17)
    %mul3A_18 = arith.constant 640 : i32
    %mul3A_19 = arith.muli %arg1, %mul3A_18 : i32
    %mul3A_20 = arith.constant 640 : i32
    %mul3A_21 = arith.muli %arg1, %mul3A_20 : i32
    %dma_start3A_22 = arith.constant 0 : i32
    %dma_start3A_23 = tpu.memref_slice %arg6[%arg0, %dma_start3A_22] : memref<2x10240xf32, #tpu.memory_space<hbm>> -> memref<1x10240xf32, #tpu.memory_space<hbm>>
    %dma_start3A_24 = tpu.memref_squeeze %dma_start3A_23 : memref<1x10240xf32, #tpu.memory_space<hbm>> -> memref<10240xf32, #tpu.memory_space<hbm>>
    %dma_start3A_25 = tpu.memref_slice %dma_start3A_24[%mul3A_21] : memref<10240xf32, #tpu.memory_space<hbm>> -> memref<640xf32, #tpu.memory_space<hbm>>
    %dma_start3A_26 = tpu.memref_slice %arg9[%mul3A_19] : memref<10240xf32, #tpu.memory_space<vmem_shared>> -> memref<640xf32, #tpu.memory_space<vmem_shared>>
    tpu.enqueue_dma source(%dma_start3A_26 : memref<640xf32, #tpu.memory_space<vmem_shared>>) target(%dma_start3A_25 : memref<640xf32, #tpu.memory_space<hbm>>) target_semaphore(%arg10 : memref<!tpu.dma_semaphore, #tpu.memory_space<semaphore_mem>>)
    %dma_wait3A_27 = arith.constant 0 : i32
    %dma_wait3A_28 = tpu.memref_slice %arg6[%arg0, %dma_wait3A_27] : memref<2x10240xf32, #tpu.memory_space<hbm>> -> memref<1x10240xf32, #tpu.memory_space<hbm>>
    %dma_wait3A_29 = tpu.memref_squeeze %dma_wait3A_28 : memref<1x10240xf32, #tpu.memory_space<hbm>> -> memref<10240xf32, #tpu.memory_space<hbm>>
    %dma_wait3A_30 = tpu.memref_slice %dma_wait3A_29[%mul3A_21] : memref<10240xf32, #tpu.memory_space<hbm>> -> memref<640xf32, #tpu.memory_space<hbm>>
    %dma_wait3A_31 = tpu.memref_slice %arg9[%mul3A_19] : memref<10240xf32, #tpu.memory_space<vmem_shared>> -> memref<640xf32, #tpu.memory_space<vmem_shared>>
    tpu.wait_dma2 semaphore(%arg10 : memref<!tpu.dma_semaphore, #tpu.memory_space<semaphore_mem>>) src(%dma_wait3A_31 : memref<640xf32, #tpu.memory_space<vmem_shared>>) dst(%dma_wait3A_30 : memref<640xf32, #tpu.memory_space<hbm>>)
    return
  }
}

module attributes {stable_mosaic.version = 14 : i64} {
  func.func @body(%arg0: i32, %arg1: memref<1280x128xf32, #tpu.memory_space<vmem>>, %arg2: memref<128x128xf32, #tpu.memory_space<vmem>>, %arg3: memref<1280x128xf32, #tpu.memory_space<vmem>>) attributes {dimension_semantics = [#tpu.dimension_semantics<arbitrary>], iteration_bounds = array<i64: 8>, scalar_prefetch = 0 : i64, scratch_operands = 0 : i64, tpu.core_type = #tpu.core_type<tc>, window_params = [{transform_indices = @transform_0, window_bounds = array<i64: 1280, 128>}, {pipeline_mode = #tpu.pipeline_mode<synchronous>, transform_indices = @transform_1, window_bounds = array<i64: 128, 128>}, {transform_indices = @transform_2, window_bounds = array<i64: 1280, 128>}]} {
    %get3A = arith.constant 0 : index
    %get3A_0 = arith.constant 0 : index
    %get3A_1 = vector.load %arg1[%get3A, %get3A_0] : memref<1280x128xf32, #tpu.memory_space<vmem>>, vector<1280x128xf32>
    %get3A_2 = arith.constant 0 : index
    %get3A_3 = arith.constant 0 : index
    %get3A_4 = vector.load %arg2[%get3A_2, %get3A_3] : memref<128x128xf32, #tpu.memory_space<vmem>>, vector<128x128xf32>
    %dot_general3A = arith.constant dense<0.000000e+00> : vector<1280x128xf32>
    %dot_general3A_5 = tpu.matmul %get3A_1, %get3A_4, %dot_general3A {dimension_numbers = #tpu.dot_dimension_numbers<[1], [0], [0], [1], [0, 0, 1, 1], [], []>, transpose_lhs_hint = false} : vector<1280x128xf32>, vector<128x128xf32>, vector<1280x128xf32> -> vector<1280x128xf32>
    %swap3A = arith.constant 0 : index
    %swap3A_6 = arith.constant 0 : index
    %swap3A_7 = vector.load %arg3[%swap3A, %swap3A_6] : memref<1280x128xf32, #tpu.memory_space<vmem>>, vector<1280x128xf32>
    tpu.vector_store %arg3[%swap3A, %swap3A_6], %dot_general3A_5 {strides = array<i32>} : memref<1280x128xf32, #tpu.memory_space<vmem>>, vector<1280x128xf32>,
    return
  }
  func.func @transform_0(%arg0: i32) -> (i32, i32) {
    %c0_i32 = arith.constant 0 : i32
    %c0_i32_0 = arith.constant 0 : i32
    return %arg0, %c0_i32 : i32, i32
  }
  func.func @transform_1(%arg0: i32) -> (i32, i32) {
    %c0_i32 = arith.constant 0 : i32
    %c0_i32_0 = arith.constant 0 : i32
    %c0_i32_1 = arith.constant 0 : i32
    return %c0_i32, %c0_i32_0 : i32, i32
  }
  func.func @transform_2(%arg0: i32) -> (i32, i32) {
    %c0_i32 = arith.constant 0 : i32
    %c0_i32_0 = arith.constant 0 : i32
    return %arg0, %c0_i32 : i32, i32
  }
}

module attributes {stable_mosaic.version = 14 : i64} {
  func.func @body(%arg0: i32, %arg1: memref<1280x128xf32, #tpu.memory_space<vmem>>, %arg2: memref<2x1280xf32, #tpu.memory_space<vmem>>, %arg3: memref<1280x128xf32, #tpu.memory_space<vmem>>) attributes {dimension_semantics = [#tpu.dimension_semantics<arbitrary>], iteration_bounds = array<i64: 8>, scalar_prefetch = 0 : i64, scratch_operands = 0 : i64, tpu.core_type = #tpu.core_type<tc>, window_params = [{transform_indices = @transform_0, window_bounds = array<i64: 1280, 128>}, {transform_indices = @transform_1, window_bounds = array<i64: 2, 1280>}, {transform_indices = @transform_2, window_bounds = array<i64: 1280, 128>}]} {
    %get3A = arith.constant 0 : index
    %get3A_0 = arith.constant 0 : index
    %get3A_1 = vector.load %arg2[%get3A, %get3A_0] : memref<2x1280xf32, #tpu.memory_space<vmem>>, vector<1x1280xf32>
    %get3A_2 = vector.shape_cast %get3A_1 : vector<1x1280xf32> to vector<1280xf32>
    %add3A = arith.constant 1.000000e+00 : f32
    %add3A_3 = vector.broadcast %add3A : f32 to vector<1280xf32>
    %add3A_4 = arith.addf %add3A_3, %get3A_2 : vector<1280xf32>
    %get3A_5 = arith.constant 1 : index
    %get3A_6 = arith.constant 0 : index
    %get3A_7 = vector.load %arg2[%get3A_5, %get3A_6] : memref<2x1280xf32, #tpu.memory_space<vmem>>, vector<1x1280xf32>
    %get3A_8 = vector.shape_cast %get3A_7 : vector<1x1280xf32> to vector<1280xf32>
    %add3A_9 = arith.addf %add3A_4, %get3A_8 : vector<1280xf32>
    %rsqrt3A = math.rsqrt %add3A_9 : vector<1280xf32>
    %get3A_10 = arith.constant 0 : index
    %get3A_11 = arith.constant 0 : index
    %get3A_12 = vector.load %arg1[%get3A_10, %get3A_11] : memref<1280x128xf32, #tpu.memory_space<vmem>>, vector<1280x128xf32>
    %broadcast_in_dim3A = vector.shape_cast %rsqrt3A : vector<1280xf32> to vector<1280x1xf32>
    %mul3A = vector.broadcast %broadcast_in_dim3A : vector<1280x1xf32> to vector<1280x128xf32>
    %mul3A_13 = arith.mulf %get3A_12, %mul3A : vector<1280x128xf32>
    %swap3A = arith.constant 0 : index
    %swap3A_14 = arith.constant 0 : index
    %swap3A_15 = vector.load %arg3[%swap3A, %swap3A_14] : memref<1280x128xf32, #tpu.memory_space<vmem>>, vector<1280x128xf32>
    tpu.vector_store %arg3[%swap3A, %swap3A_14], %mul3A_13 {strides = array<i32>} : memref<1280x128xf32, #tpu.memory_space<vmem>>, vector<1280x128xf32>,
    return
  }
  func.func @transform_0(%arg0: i32) -> (i32, i32) {
    %c0_i32 = arith.constant 0 : i32
    %c0_i32_0 = arith.constant 0 : i32
    return %arg0, %c0_i32 : i32, i32
  }
  func.func @transform_1(%arg0: i32) -> (i32, i32) {
    %c0_i32 = arith.constant 0 : i32
    %c0_i32_0 = arith.constant 0 : i32
    return %c0_i32, %arg0 : i32, i32
  }
  func.func @transform_2(%arg0: i32) -> (i32, i32) {
    %c0_i32 = arith.constant 0 : i32
    %c0_i32_0 = arith.constant 0 : i32
    return %arg0, %c0_i32 : i32, i32
  }
}

module attributes {stable_mosaic.version = 14 : i64} {
  func.func @body(%arg0: i32, %arg1: memref<2x1280x128xf32, #tpu.memory_space<vmem>>, %arg2: memref<1280x128xf32, #tpu.memory_space<vmem>>, %arg3: memref<2x1280xf32, #tpu.memory_space<vmem>>, %arg4: memref<1x128xf32, #tpu.memory_space<vmem>>, %arg5: memref<128x64xf32, #tpu.memory_space<vmem>>, %arg6: memref<1280x128xf32, #tpu.memory_space<vmem>>, %arg7: memref<1280x64xf32, #tpu.memory_space<vmem>>) attributes {dimension_semantics = [#tpu.dimension_semantics<arbitrary>], iteration_bounds = array<i64: 8>, scalar_prefetch = 0 : i64, scratch_operands = 0 : i64, tpu.core_type = #tpu.core_type<tc>, window_params = [{transform_indices = @transform_0, window_bounds = array<i64: 2, 1280, 128>}, {transform_indices = @transform_1, window_bounds = array<i64: 1280, 128>}, {transform_indices = @transform_2, window_bounds = array<i64: 2, 1280>}, {pipeline_mode = #tpu.pipeline_mode<synchronous>, transform_indices = @transform_3, window_bounds = array<i64: 1, 128>}, {pipeline_mode = #tpu.pipeline_mode<synchronous>, transform_indices = @transform_4, window_bounds = array<i64: 128, 64>}, {transform_indices = @transform_5, window_bounds = array<i64: 1280, 128>}, {transform_indices = @transform_6, window_bounds = array<i64: 1280, 64>}]} {
    %get3A = arith.constant 0 : index
    %get3A_0 = arith.constant 0 : index
    %get3A_1 = vector.load %arg3[%get3A, %get3A_0] : memref<2x1280xf32, #tpu.memory_space<vmem>>, vector<1x1280xf32>
    %get3A_2 = vector.shape_cast %get3A_1 : vector<1x1280xf32> to vector<1280xf32>
    %add3A = arith.constant 1.000000e+00 : f32
    %add3A_3 = vector.broadcast %add3A : f32 to vector<1280xf32>
    %add3A_4 = arith.addf %add3A_3, %get3A_2 : vector<1280xf32>
    %get3A_5 = arith.constant 1 : index
    %get3A_6 = arith.constant 0 : index
    %get3A_7 = vector.load %arg3[%get3A_5, %get3A_6] : memref<2x1280xf32, #tpu.memory_space<vmem>>, vector<1x1280xf32>
    %get3A_8 = vector.shape_cast %get3A_7 : vector<1x1280xf32> to vector<1280xf32>
    %add3A_9 = arith.addf %add3A_4, %get3A_8 : vector<1280xf32>
    %rsqrt3A = math.rsqrt %add3A_9 : vector<1280xf32>
    %get3A_10 = arith.constant 0 : index
    %get3A_11 = arith.constant 0 : index
    %get3A_12 = arith.constant 0 : index
    %get3A_13 = vector.load %arg1[%get3A_10, %get3A_11, %get3A_12] : memref<2x1280x128xf32, #tpu.memory_space<vmem>>, vector<1x1280x128xf32>
    %get3A_14 = vector.shape_cast %get3A_13 : vector<1x1280x128xf32> to vector<1280x128xf32>
    %get3A_15 = arith.constant 1 : index
    %get3A_16 = arith.constant 0 : index
    %get3A_17 = arith.constant 0 : index
    %get3A_18 = vector.load %arg1[%get3A_15, %get3A_16, %get3A_17] : memref<2x1280x128xf32, #tpu.memory_space<vmem>>, vector<1x1280x128xf32>
    %get3A_19 = vector.shape_cast %get3A_18 : vector<1x1280x128xf32> to vector<1280x128xf32>
    %add3A_20 = arith.addf %get3A_14, %get3A_19 : vector<1280x128xf32>
    %get3A_21 = arith.constant 0 : index
    %get3A_22 = arith.constant 0 : index
    %get3A_23 = vector.load %arg2[%get3A_21, %get3A_22] : memref<1280x128xf32, #tpu.memory_space<vmem>>, vector<1280x128xf32>
    %add3A_24 = arith.addf %add3A_20, %get3A_23 : vector<1280x128xf32>
    %broadcast_in_dim3A = vector.shape_cast %rsqrt3A : vector<1280xf32> to vector<1280x1xf32>
    %mul3A = vector.broadcast %broadcast_in_dim3A : vector<1280x1xf32> to vector<1280x128xf32>
    %mul3A_25 = arith.mulf %add3A_24, %mul3A : vector<1280x128xf32>
    %get3A_26 = arith.constant 0 : index
    %get3A_27 = arith.constant 0 : index
    %get3A_28 = vector.load %arg4[%get3A_26, %get3A_27] : memref<1x128xf32, #tpu.memory_space<vmem>>, vector<1x128xf32>
    %add3A_29 = vector.broadcast %get3A_28 : vector<1x128xf32> to vector<1280x128xf32>
    %add3A_30 = arith.addf %mul3A_25, %add3A_29 : vector<1280x128xf32>
    %max3A = arith.constant 0.000000e+00 : f32
    %max3A_31 = vector.broadcast %max3A : f32 to vector<1280x128xf32>
    %max3A_32 = arith.maximumf %add3A_30, %max3A_31 : vector<1280x128xf32>
    %swap3A = arith.constant 0 : index
    %swap3A_33 = arith.constant 0 : index
    %swap3A_34 = vector.load %arg6[%swap3A, %swap3A_33] : memref<1280x128xf32, #tpu.memory_space<vmem>>, vector<1280x128xf32>
    tpu.vector_store %arg6[%swap3A, %swap3A_33], %max3A_32 {strides = array<i32>} : memref<1280x128xf32, #tpu.memory_space<vmem>>, vector<1280x128xf32>,
    %get3A_35 = arith.constant 0 : index
    %get3A_36 = arith.constant 0 : index
    %get3A_37 = vector.load %arg5[%get3A_35, %get3A_36] : memref<128x64xf32, #tpu.memory_space<vmem>>, vector<128x64xf32>
    %dot_general3A = arith.constant dense<0.000000e+00> : vector<1280x64xf32>
    %dot_general3A_38 = tpu.matmul %max3A_32, %get3A_37, %dot_general3A {dimension_numbers = #tpu.dot_dimension_numbers<[1], [0], [0], [1], [0, 0, 1, 1], [], []>, transpose_lhs_hint = false} : vector<1280x128xf32>, vector<128x64xf32>, vector<1280x64xf32> -> vector<1280x64xf32>
    %broadcast_in_dim3A_39 = vector.shape_cast %rsqrt3A : vector<1280xf32> to vector<1280x1xf32>
    %mul3A_40 = vector.broadcast %broadcast_in_dim3A_39 : vector<1280x1xf32> to vector<1280x64xf32>
    %mul3A_41 = arith.mulf %dot_general3A_38, %mul3A_40 : vector<1280x64xf32>
    %swap3A_42 = arith.constant 0 : index
    %swap3A_43 = arith.constant 0 : index
    %swap3A_44 = vector.load %arg7[%swap3A_42, %swap3A_43] : memref<1280x64xf32, #tpu.memory_space<vmem>>, vector<1280x64xf32>
    tpu.vector_store %arg7[%swap3A_42, %swap3A_43], %mul3A_41 {strides = array<i32>} : memref<1280x64xf32, #tpu.memory_space<vmem>>, vector<1280x64xf32>,
    return
  }
  func.func @transform_0(%arg0: i32) -> (i32, i32, i32) {
    %c0_i32 = arith.constant 0 : i32
    %c0_i32_0 = arith.constant 0 : i32
    %c0_i32_1 = arith.constant 0 : i32
    return %c0_i32, %arg0, %c0_i32_0 : i32, i32, i32
  }
  func.func @transform_1(%arg0: i32) -> (i32, i32) {
    %c0_i32 = arith.constant 0 : i32
    %c0_i32_0 = arith.constant 0 : i32
    return %arg0, %c0_i32 : i32, i32
  }
  func.func @transform_2(%arg0: i32) -> (i32, i32) {
    %c0_i32 = arith.constant 0 : i32
    %c0_i32_0 = arith.constant 0 : i32
    return %c0_i32, %arg0 : i32, i32
  }
  func.func @transform_3(%arg0: i32) -> (i32, i32) {
    %c0_i32 = arith.constant 0 : i32
    %c0_i32_0 = arith.constant 0 : i32
    %c0_i32_1 = arith.constant 0 : i32
    return %c0_i32, %c0_i32_0 : i32, i32
  }
  func.func @transform_4(%arg0: i32) -> (i32, i32) {
    %c0_i32 = arith.constant 0 : i32
    %c0_i32_0 = arith.constant 0 : i32
    %c0_i32_1 = arith.constant 0 : i32
    return %c0_i32, %c0_i32_0 : i32, i32
  }
  func.func @transform_5(%arg0: i32) -> (i32, i32) {
    %c0_i32 = arith.constant 0 : i32
    %c0_i32_0 = arith.constant 0 : i32
    return %arg0, %c0_i32 : i32, i32
  }
  func.func @transform_6(%arg0: i32) -> (i32, i32) {
    %c0_i32 = arith.constant 0 : i32
    %c0_i32_0 = arith.constant 0 : i32
    return %arg0, %c0_i32 : i32, i32
  }
}

module attributes {stable_mosaic.version = 14 : i64} {
  func.func @body(%arg0: i32, %arg1: memref<2x1280x64xf32, #tpu.memory_space<vmem>>, %arg2: memref<1280x64xf32, #tpu.memory_space<vmem>>, %arg3: memref<2x1280xf32, #tpu.memory_space<vmem>>, %arg4: memref<1x64xf32, #tpu.memory_space<vmem>>, %arg5: memref<1280x64xf32, #tpu.memory_space<vmem>>) attributes {dimension_semantics = [#tpu.dimension_semantics<arbitrary>], iteration_bounds = array<i64: 8>, scalar_prefetch = 0 : i64, scratch_operands = 0 : i64, tpu.core_type = #tpu.core_type<tc>, window_params = [{transform_indices = @transform_0, window_bounds = array<i64: 2, 1280, 64>}, {transform_indices = @transform_1, window_bounds = array<i64: 1280, 64>}, {transform_indices = @transform_2, window_bounds = array<i64: 2, 1280>}, {pipeline_mode = #tpu.pipeline_mode<synchronous>, transform_indices = @transform_3, window_bounds = array<i64: 1, 64>}, {transform_indices = @transform_4, window_bounds = array<i64: 1280, 64>}]} {
    %get3A = arith.constant 0 : index
    %get3A_0 = arith.constant 0 : index
    %get3A_1 = vector.load %arg3[%get3A, %get3A_0] : memref<2x1280xf32, #tpu.memory_space<vmem>>, vector<1x1280xf32>
    %get3A_2 = vector.shape_cast %get3A_1 : vector<1x1280xf32> to vector<1280xf32>
    %add3A = arith.constant 1.000000e+00 : f32
    %add3A_3 = vector.broadcast %add3A : f32 to vector<1280xf32>
    %add3A_4 = arith.addf %add3A_3, %get3A_2 : vector<1280xf32>
    %get3A_5 = arith.constant 1 : index
    %get3A_6 = arith.constant 0 : index
    %get3A_7 = vector.load %arg3[%get3A_5, %get3A_6] : memref<2x1280xf32, #tpu.memory_space<vmem>>, vector<1x1280xf32>
    %get3A_8 = vector.shape_cast %get3A_7 : vector<1x1280xf32> to vector<1280xf32>
    %add3A_9 = arith.addf %add3A_4, %get3A_8 : vector<1280xf32>
    %rsqrt3A = math.rsqrt %add3A_9 : vector<1280xf32>
    %get3A_10 = arith.constant 0 : index
    %get3A_11 = arith.constant 0 : index
    %get3A_12 = arith.constant 0 : index
    %get3A_13 = vector.load %arg1[%get3A_10, %get3A_11, %get3A_12] : memref<2x1280x64xf32, #tpu.memory_space<vmem>>, vector<1x1280x64xf32>
    %get3A_14 = vector.shape_cast %get3A_13 : vector<1x1280x64xf32> to vector<1280x64xf32>
    %get3A_15 = arith.constant 1 : index
    %get3A_16 = arith.constant 0 : index
    %get3A_17 = arith.constant 0 : index
    %get3A_18 = vector.load %arg1[%get3A_15, %get3A_16, %get3A_17] : memref<2x1280x64xf32, #tpu.memory_space<vmem>>, vector<1x1280x64xf32>
    %get3A_19 = vector.shape_cast %get3A_18 : vector<1x1280x64xf32> to vector<1280x64xf32>
    %add3A_20 = arith.addf %get3A_14, %get3A_19 : vector<1280x64xf32>
    %get3A_21 = arith.constant 0 : index
    %get3A_22 = arith.constant 0 : index
    %get3A_23 = vector.load %arg2[%get3A_21, %get3A_22] : memref<1280x64xf32, #tpu.memory_space<vmem>>, vector<1280x64xf32>
    %add3A_24 = arith.addf %add3A_20, %get3A_23 : vector<1280x64xf32>
    %broadcast_in_dim3A = vector.shape_cast %rsqrt3A : vector<1280xf32> to vector<1280x1xf32>
    %mul3A = vector.broadcast %broadcast_in_dim3A : vector<1280x1xf32> to vector<1280x64xf32>
    %mul3A_25 = arith.mulf %add3A_24, %mul3A : vector<1280x64xf32>
    %get3A_26 = arith.constant 0 : index
    %get3A_27 = arith.constant 0 : index
    %get3A_28 = vector.load %arg4[%get3A_26, %get3A_27] : memref<1x64xf32, #tpu.memory_space<vmem>>, vector<1x64xf32>
    %add3A_29 = vector.broadcast %get3A_28 : vector<1x64xf32> to vector<1280x64xf32>
    %add3A_30 = arith.addf %mul3A_25, %add3A_29 : vector<1280x64xf32>
    %swap3A = arith.constant 0 : index
    %swap3A_31 = arith.constant 0 : index
    %swap3A_32 = vector.load %arg5[%swap3A, %swap3A_31] : memref<1280x64xf32, #tpu.memory_space<vmem>>, vector<1280x64xf32>
    tpu.vector_store %arg5[%swap3A, %swap3A_31], %add3A_30 {strides = array<i32>} : memref<1280x64xf32, #tpu.memory_space<vmem>>, vector<1280x64xf32>,
    return
  }
  func.func @transform_0(%arg0: i32) -> (i32, i32, i32) {
    %c0_i32 = arith.constant 0 : i32
    %c0_i32_0 = arith.constant 0 : i32
    %c0_i32_1 = arith.constant 0 : i32
    return %c0_i32, %arg0, %c0_i32_0 : i32, i32, i32
  }
  func.func @transform_1(%arg0: i32) -> (i32, i32) {
    %c0_i32 = arith.constant 0 : i32
    %c0_i32_0 = arith.constant 0 : i32
    return %arg0, %c0_i32 : i32, i32
  }
  func.func @transform_2(%arg0: i32) -> (i32, i32) {
    %c0_i32 = arith.constant 0 : i32
    %c0_i32_0 = arith.constant 0 : i32
    return %c0_i32, %arg0 : i32, i32
  }
  func.func @transform_3(%arg0: i32) -> (i32, i32) {
    %c0_i32 = arith.constant 0 : i32
    %c0_i32_0 = arith.constant 0 : i32
    %c0_i32_1 = arith.constant 0 : i32
    return %c0_i32, %c0_i32_0 : i32, i32
  }
  func.func @transform_4(%arg0: i32) -> (i32, i32) {
    %c0_i32 = arith.constant 0 : i32
    %c0_i32_0 = arith.constant 0 : i32
    return %arg0, %c0_i32 : i32, i32
  }
}

</mosaic_0001>

<sc_bundles>
// kernel: kernel.12.cloned.1.call-start
scs
__scs_entry_jumppad:
0x0: {  	(pc) =	sbr.rel $0x88, $3  }
0x1: {  	(tag) =	ssettag $0x0;
	lr =	simm.s32 $0x1  }
0x2: {  	[smem:$0x3F9B] =	sst lr;
	_ =	strace $0xD0000000  }
0x3: {  	_ = 	snop  }
0x4: {  	_ = 	snop  }
0x5: {  	_ = 	snop  }
0x6: {  	_ = 	snop  }
0x7: {  	_ = 	snop  }
__scs_overlays_trampoline_lowered:
0x8: {  	[smem:$0x3FAA] =	sst s0  }
0x9: {  	[smem:$0x3FAB] =	sst s1  }
0xa: {  	[smem:$0x3FAC] =	sst s2  }
0xb: {  	[smem:$0x3FAD] =	sst s3  }
0xc: {  	[smem:$0x3FAE] =	sst s4  }
0xd: {  	[smem:$0x3FAF] =	sst s5  }
0xe: {  	[smem:$0x3FB0] =	sst s6  }
0xf: {  	[smem:$0x3FB1] =	sst s7  }
0x10: {  	[smem:$0x3FB2] =	sst s8  }
0x11: {  	[smem:$0x3FB3] =	sst s9;
	s0 =	simm.s32 @!p0 $0x0  }
0x12: {  	s1 =	sld [smem:$0x3F99];
	s0 =	simm.s32 @p0 $0x1  }
0x13: {  	[smem:$0x3FB4] =	sst s0;
	s0 =	simm.s32 @!p1 $0x0  }
0x14: {  	s2 =	sld [smem:$0x3F98];
	s0 =	simm.s32 @p1 $0x1  }
0x15: {  	[smem:$0x3FB5] =	sst s0;
	s0 =	simm.s32 @!p2 $0x0  }
0x16: {  	s3 =	sld [smem:$0x3FDB];
	s0 =	simm.s32 @p2 $0x1  }
0x17: {  	s4 =	simm.s32 $0x1BF5;
	[smem:$0x3FB7] =	sst s0  }
0x18: {  	s0 =	sld [smem:$0x3F9A];
	_ =	swait.ge [sflag:s4], $0x0  }
0x19: {  	s7 =	sld [smem:$0x3F9B]  }
0x1a: {  	s8 =	sadd.s32 $0xFFFFE003, lr  }
0x1b: {  	s9 =	sadd.s32 $0xFFFFFEF7, lr;
	s5 =	simm.s32 $0xFFFFFFFF;
	p2 =	slt.u32 s8, $0xFFFFF086  }
0x1c: {  	p1 =	slt.u32 s9, $0xF7A;
	s5 =	simm.s32 @!p2 $0x0  }
0x1d: {  	s5 =	simm.s32 @p1 $0x1;
	p0 =	seq.s32 s7, s2  }
0x1e: {  	s7 =	smul.u32 @!p0 $0xF7A, s2;
	p2 =	seq.s32 @!p0 s5, $0x0  }
0x1f: {  	s9 =	smul.u32 $0xF7A, s1;
	s8 =	simm.s32 @!p0 $0x1BF5;
	p2 =	por !p2, p0  }
0x20: {  	[sflag:s8] =	ssyncset.s32 @!p0 $0xFFFFF086;
	s6 =	sadd.s32 @!p0 s3, s7;
	s7 =	simm.s32 @!p0 $0x108  }
0x21: {  	s3 =	sadd.s32 s3, s9;
	s6 =	sadd.s32 @!p0 $0x88, s6;
	s7 =	simm.s32 @p2 $0x1082  }
0x22: {  	[simem:s7], [sflag:s8] =	dma.local @!p0 [hbm:s6], $0xF7A  }
0x23: {  	s9 =	sor.u32 $0xD0000000, s2;
	s6 =	simm.s32 $0x108;
	_ =	swait.ge @!p0 [sflag:s8], $0x0  }
0x24: {  	s3 =	sadd.s32 $0x88, s3;
	s6 =	simm.s32 @!p1 $0x1082;
	[sflag:s4] =	ssyncset.s32 $0xFFFFF086  }
0x25: {  	[simem:s6], [sflag:s4] =	dma.local [hbm:s3], $0xF7A  }
0x26: {  	[smem:$0x3F9B] =	sst s1;
	(tag) =	ssettag s2;
	_ =	strace s9  }
0x27: {  	s1 =	sld [smem:$0x3FAB]  }
0x28: {  	s2 =	sld [smem:$0x3FAC]  }
0x29: {  	s4 =	sld [smem:$0x3FAE]  }
0x2a: {  	p0 =	seq.s32 s5, $0x0;
	s5 =	sld [smem:$0x3FAF]  }
0x2b: {  	s6 =	sld [smem:$0x3FB0]  }
0x2c: {  	s7 =	sld [smem:$0x3FB1]  }
0x2d: {  	s3 =	simm.s32 $0x108;
	s8 =	sld [smem:$0x3FB2]  }
0x2e: {  	s3 =	simm.s32 @!p0 $0x1082;
	s9 =	sld [smem:$0x3FB3]  }
0x2f: {  	lr =	sadd.s32 s0, s3;
	s0 =	sld [smem:$0x3FAA]  }
0x30: {  	s3 =	sld [smem:$0x3FAD]  }
0x31: {  	[smem:$0x3FB6] =	sst s10  }
0x32: {  	s10 =	sld [smem:$0x3FB4];
	_ =	sdelay $0x3  }
0x33: {  	p0 =	seq.s32 s10, $0x1;
	s10 =	sld [smem:$0x3FB6];
	_ =	sdelay $0x3  }
0x34: {  	[smem:$0x3FB6] =	sst s10  }
0x35: {  	s10 =	sld [smem:$0x3FB5];
	_ =	sdelay $0x3  }
0x36: {  	p1 =	seq.s32 s10, $0x1;
	s10 =	sld [smem:$0x3FB6];
	_ =	sdelay $0x3  }
0x37: {  	[smem:$0x3FB6] =	sst s10  }
0x38: {  	s10 =	sld [smem:$0x3FB7]  }
0x39: {  	_ = 	snop;
	(pc) =	sbr.ind lr, $3  }
0x3a: {  	_ = 	snop  }
0x3b: {  	_ = 	snop  }
0x3c: {  	p2 =	seq.s32 s10, $0x1;
	s10 =	sld [smem:$0x3FB6]  }
0x3d: {  	_ =	shalt  }
0x3e: {  	_ =	shalt  }
0x3f: {  	_ =	shalt  }
0x40: {  	_ =	shalt  }
0x41: {  	_ =	shalt  }
0x42: {  	_ =	shalt  }
0x43: {  	_ =	shalt  }
0x44: {  	_ =	shalt  }
0x45: {  	_ =	shalt  }
0x46: {  	_ =	shalt  }
0x47: {  	_ =	shalt  }
0x48: {  	_ =	shalt  }
0x49: {  	_ =	shalt  }
0x4a: {  	_ =	shalt  }
0x4b: {  	_ =	shalt  }
0x4c: {  	_ =	shalt  }
0x4d: {  	_ =	shalt  }
0x4e: {  	_ =	shalt  }
0x4f: {  	_ =	shalt  }
0x50: {  	_ =	shalt  }
0x51: {  	_ =	shalt  }
0x52: {  	_ =	shalt  }
0x53: {  	_ =	shalt  }
0x54: {  	_ =	shalt  }
0x55: {  	_ =	shalt  }
0x56: {  	_ =	shalt  }
0x57: {  	_ =	shalt  }
0x58: {  	_ =	shalt  }
0x59: {  	_ =	shalt  }
0x5a: {  	_ =	shalt  }
0x5b: {  	_ =	shalt  }
0x5c: {  	_ =	shalt  }
0x5d: {  	_ =	shalt  }
0x5e: {  	_ =	shalt  }
0x5f: {  	_ =	shalt  }
0x60: {  	_ =	shalt  }
0x61: {  	_ =	shalt  }
0x62: {  	_ =	shalt  }
0x63: {  	_ =	shalt  }
0x64: {  	_ =	shalt  }
0x65: {  	_ =	shalt  }
0x66: {  	_ =	shalt  }
0x67: {  	_ =	shalt  }
0x68: {  	_ =	shalt  }
0x69: {  	_ =	shalt  }
0x6a: {  	_ =	shalt  }
0x6b: {  	_ =	shalt  }
0x6c: {  	_ =	shalt  }
0x6d: {  	_ =	shalt  }
0x6e: {  	_ =	shalt  }
0x6f: {  	_ =	shalt  }
0x70: {  	_ =	shalt  }
0x71: {  	_ =	shalt  }
0x72: {  	_ =	shalt  }
0x73: {  	_ =	shalt  }
0x74: {  	_ =	shalt  }
0x75: {  	_ =	shalt  }
0x76: {  	_ =	shalt  }
0x77: {  	_ =	shalt  }
0x78: {  	_ =	shalt  }
0x79: {  	_ =	shalt  }
0x7a: {  	_ =	shalt  }
0x7b: {  	_ =	shalt  }
0x7c: {  	_ =	shalt  }
0x7d: {  	_ =	shalt  }
0x7e: {  	_ =	shalt  }
0x7f: {  	_ =	shalt  }
0x80: {  	_ =	shalt  }
0x81: {  	_ =	shalt  }
0x82: {  	_ =	shalt  }
0x83: {  	_ =	shalt  }
0x84: {  	_ =	shalt  }
0x85: {  	_ =	shalt  }
0x86: {  	_ =	shalt  }
0x87: {  	_ =	shalt  }
.Lfunc_end0:
.L_simem_size_0:
called_computation.1_lowered:
.L_overlay_start_0:
0x88: {  	s2 =	sld [smem:$0x3FD9]  }
0x89: {  	s3 =	sld [smem:$0x3FFE];
	_ =	sdelay $0x1  }
0x8a: {  	s1 =	srdreg.scid  }
0x8b: {  	s0 =	sand.u32 $0x1, s1  }
0x8c: {  	s14 =	sshll.u32 s0, $0xA;
	s2 =	sadd.s32 s3, s2  }
0x8d: {  	s2 =	sadd.s32 s2, s14  }
0x8e: {  	[smem:$0x3FC2] =	sst s2  }
0x8f: {  	_ = 	snop  }
0x90: {  	s2 =	sld [smem:$0x3FD0];
	_ =	sdelay $0x2  }
0x91: {  	s15 =	simm.s32 $0xA;
	s4 =	simm.s32 $0x10  }
0x92: {  	[smem:s4], [sflag:s15] =	dma.local [hbm:s2], $0x1  }
0x93: {  	_ =	swait.eq [sflag:s15], $0x1  }
0x94: {  	[sflag:s15] =	ssyncset.done $0x0  }
0x95: {  	[sflag:s15] =	ssyncadd.s32 $0xFFFFFFFF  }
0x96: {  	s16 =	sld [smem:$0x11];
	(tm) =	ssettm $0x1  }
0x97: {  	s17 =	sld [smem:$0x3FFB];
	_ =	sdelay $0x3  }
0x98: {  	_ =	strace s17  }
0x99: {  	s3 =	sld [smem:$0x3FFC];
	_ =	sdelay $0x3  }
0x9a: {  	_ =	strace s3  }
0x9b: {  	s3 =	sld [smem:$0x3FFD];
	_ =	sdelay $0x3  }
0x9c: {  	_ =	strace s3  }
0x9d: {  	_ =	strace $0x8FFFFFFF  }
0x9e: {  	s18 =	sld [smem:$0x3FDB];
	_ =	sdelay $0x1  }
0x9f: {  	s19 =	simm.s32 $_scs_section_size  }
0xa0: {  	s5 =	simm.s32 $_size__tile_overlayer_lowered;
	s6 =	simm.s32 $_tile_overlayer_lowered  }
0xa1: {  	s22 =	simm.s32 $0x1BFF;
	s21 =	sshll.u32 s6, $0x1;
	s3 =	sadd.s32 s19, s18  }
0xa2: {  	s7 =	simm.s32 $0x0;
	s20 =	sshll.u32 s5, $0x1;
	s5 =	sadd.s32 s21, s3  }
0xa3: {  	[timem:s7], [sflag:s22] =	dma.local [hbm:s5], s20  }
0xa4: {  	_ =	swait.ge [sflag:s22], s20  }
0xa5: {  	s4 =	ssub.s32 $0x0, s20;
	[sflag:s22] =	ssyncset.done $0x0  }
0xa6: {  	[sflag:s22] =	ssyncadd.s32 s4;
	_ =	sdelay $0x1  }
0xa7: {  	s23 =	simm.s32 $0x1B8B  }
0xa8: {  	_ =	swait.ge [sflag:s23], $0x1  }
0xa9: {  	[sflag:s23] =	ssyncset.done $0x0  }
0xaa: {  	s25 =	simm.s32 $0x1B8E;
	s24 =	sld [smem:$0x3FFE];
	[sflag:s23] =	ssyncadd.s32 $0xFFFFFFFF  }
0xab: {  	s26 =	simm.s32 $execute0_lowered;
	[smem:$0x3FD2] =	sst s25  }
0xac: {  	s5 =	sshll.u32 s26, $0x1;
	_ =	strace $0x80000049;
	[dreg:$0x1] =	wrdreg $0xFFFFFFFF  }
0xad: {  	s28 =	simm.s32 $_size_execute0_lowered;
	s3 =	sadd.s32 s3, s5;
	[dreg:$0x0] =	wrdreg $0x0  }
0xae: {  	s5 =	sshll.u32 s28, $0x1;
	[dreg:$0x2] =	wrdreg s3  }
0xaf: {  	[dreg:$0x3] =	wrdreg s5  }
0xb0: {  	[dreg:$0x4] =	wrdreg $0xC0  }
0xb1: {  	_ =	task [dreg:s7], $0x5FFFF  }
0xb2: {  	[dreg:$0x1] =	wrdreg $0xFFFFFFFF  }
0xb3: {  	[dreg:$0x0] =	wrdreg $0x60  }
0xb4: {  	[dreg:$0x2] =	wrdreg s24  }
0xb5: {  	[dreg:$0x3] =	wrdreg s16  }
0xb6: {  	[dreg:$0x4] =	wrdreg $0xA8000  }
0xb7: {  	[dreg:$0x5] =	wrdreg $0x9  }
0xb8: {  	_ =	task.clear_ibuf [dreg:s7], $0x6FFFF;
	_ =	strace $0x90000049  }
0xb9: {  	s29 =	simm.s32 $0x9;
	_ =	strace $0x8000004B  }
0xba: {  	_ =	swait.ge [sflag:s29], $0x1  }
0xbb: {  	[sflag:s29] =	ssyncadd.s32 $0xFFFFFFFF  }
0xbc: {  	_ =	strace $0x9000004B  }
0xbd: {  	_ =	sfence  }
0xbe: {  	s30 =	sld [smem:$0x0];
	_ =	sdelay $0x2  }
0xbf: {  	s31 =	sshll.u32 s1, $0xD;
	s1 =	sshrl.u32 s1, $0x2  }
0xc0: {  	s3 =	sand.u32 $0x4000, s31;
	s1 =	sadd.s32 s1, s30  }
0xc1: {  	s0 =	sor.u32 s3, s0;
	s1 =	sshll.u32 s1, $0x11  }
0xc2: {  	s0 =	sor.u32 s1, s0  }
0xc3: {  	s0 =	sadd.s32 $0x8F2B, s0  }
0xc4: {  	[sflag:s0] =	ssyncadd.remote.s32 $0x1  }
0xc5: {  	_ =	sfence.sel $0xFFFF  }
0xc6: {  	[dreg:$0x0] =	wrdreg $0xFFFFFFFF;
	(pc) =	sbr.abs _section_cstart, $3  }
0xc7: {  	[dreg:$0x1] =	wrdreg $0xFFFFFFFF  }
0xc8: {  	_ =	task.clear_ibuf [dreg:s7], $0x2FFFF;
	_ =	strace $0x9FFFFFFF  }
0xc9: {  	(tm) =	ssettm $0x7FFFFFFF  }
tec
execute0_lowered:
.L_overlay_start_1:
0x0: {  	(tag) =	ssettag $0x1  }
0x1: {  	s11 =	rddreg [dreg:$0x0]  }
0x2: {  	s1 =	rddreg [dreg:$0x1]  }
0x3: {  	s3 =	rddreg [dreg:$0x2]  }
0x4: {  	s0 =	rddreg [dreg:$0x3];
	s4 =	simm.s32 $0x0  }
0x5: {  	s2 =	stileid.u32;
	s5 =	srdreg.scid;
	s17 =	simm.s32 $0x2800  }
0x6: {  	s18 =	simm.s32 $0x6800;
	s19 =	simm.s32 $0x2;
	s20 =	simm.s32 $0x4  }
0x7: {  	s21 =	simm.s32 $0x3;
	s22 =	simm.s32 $0x2700;
	s23 =	simm.s32 $0x2780  }
0x8: {  	[smem:$0x7FF] =	sst s4;
	s7 =	smul.u32 $0x14000, s2;
	s8 =	sand.u32 $0x1, s5  }
0x9: {  	s5 =	sadd.s32 $0x2C00, s11;
	s6 =	sadd.s32 $0x2800, s11;
	s14 =	sshll.u32 s2, $0x1  }
0xa: {  	s30 =	sshll.u32 s2, $0x6;
	_ =	strace $0x8000004A;
	s9 =	smul.u32 $0x28000, s8  }
0xb: {  	s12 =	ssub.s32 $0x2, s8;
	s16 =	sor.u32 s8, s14;
	s8 =	sor.u32 $0x1C01, s30  }
0xc: {  	s24 =	sshrl.u32 s7, $0x3;
	s29 =	sshrl.u32 s12, $0x1;
	s31 =	sadd.s32 s7, s3  }
0xd: {  	p0 =	seq.s32 s16, $0x1F;
	s10 =	sadd.s32 s24, s11;
	s13 =	sadd.s32 s9, s11  }
0xe: {  	s15 =	ssub.s32 s12, s29;
	s9 =	smul.u32 $0x50, s16;
	s11 =	sadd.s32 $0x2940, s11  }
0xf: {  	s12 =	sadd.s32 $0x9B00, s1;
	s14 =	sshrl.u32 s31, $0x3;
	s16 =	simm.s32 $0x80  }
0x10: {  	s7 =	sadd.s32 $0x2AC00, s10;
	s10 =	sadd.s32 $0x9C40, s1;
	s25 =	sadd.s32 $0x52C00, s13  }
0x11: {  	s13 =	smax.u32 s15, $0x1;
	s15 =	simm.s32 $0x1;
	s24 =	sadd.s32 s24, s25  }
.LBB2_1:
0x12: {  	[spmem:s14], [sflag:s8] =	dma.local [hbm:s7], $0x2800  }
0x13: {  	_ =	swait.ge [sflag:s15], $0x2800  }
0x14: {  	[sflag:s15] =	ssyncset.done $0x0  }
0x15: {  	[sflag:s15] =	ssyncadd.s32 $0xFFFFD800  }
0x16: {  	p2 =	por $0x1, $0x1;
	s25 =	simm.s32 $0x0;
	[bflag:$0x0] =	sbarrier.arrive $0xFFFF  }
.LBB2_2:
0x17: {  	p3 =	por p2, !p0  }
0x18: {  	s26 =	simm.s32 @!p3 $0x0  }
0x19: {  	[tilespmem:s26], [sflag:$0x1] =	stream.linear.gather @!p3 [hbm4b:s11+s26], $0x1400, $0x38;
	[tilespmem:$0x1E800] =	vst v63  }
0x1a: {  	s28 =	simm.s32 @!p3 $0x1400  }
0x1b: {  	[tilespmem:s28], [sflag:$0x2] =	stream.linear.gather @!p3 [hbm4b:s11+s26], $0x1400, $0x38;
	[tilespmem:$0x1E800] =	vst v63  }
0x1c: {  	s26 =	simm.s32 @!p3 $0x1  }
0x1d: {  	_ =	swait.ge @!p3 [sflag:s26], $0x1400  }
0x1e: {  	[sflag:s26] =	ssyncset.done @!p3 $0x0  }
0x1f: {  	[sflag:s26] =	ssyncadd.s32 @!p3 $0xFFFFEC00;
	s26 =	simm.s32 @!p3 $0x2  }
0x20: {  	_ =	swait.ge @!p3 [sflag:s26], $0x1400  }
0x21: {  	p1 =	por p2, p2;
	p2 =	por !p2, !p0;
	[sflag:s26] =	ssyncset.done @!p3 $0x0  }
0x22: {  	[sflag:s26] =	ssyncadd.s32 @!p3 $0xFFFFEC00;
	s26 =	simm.s32 @!p2 $0x0  }
0x23: {  	[tilespmem:s26], [sflag:$0x1] =	stream.linear.gather @!p2 [hbm4b:s12+s26], $0xA00, $0x38;
	[tilespmem:$0x1E800] =	vst v63  }
0x24: {  	s28 =	simm.s32 @!p2 $0xA00  }
0x25: {  	[tilespmem:s28], [sflag:$0x2] =	stream.linear.gather @!p2 [hbm4b:s6+s26], $0xA00, $0x38;
	[tilespmem:$0x1E800] =	vst v63  }
0x26: {  	s29 =	simm.s32 @!p2 $0x1400;
	s28 =	sadd.s32 @!p2 $0x9B00, s10  }
0x27: {  	[tilespmem:s29], [sflag:$0x3] =	stream.linear.gather @!p2 [hbm4b:s28+s26], $0xA00, $0x38;
	[tilespmem:$0x1E800] =	vst v63  }
0x28: {  	s28 =	simm.s32 @!p2 $0x1E00  }
0x29: {  	[tilespmem:s28], [sflag:$0x1] =	stream.linear.gather @!p2 [hbm4b:s6+s26], $0xA00, $0x38;
	[tilespmem:$0x1E800] =	vst v63  }
0x2a: {  	s26 =	simm.s32 @!p2 $0x1  }
0x2b: {  	_ =	swait.ge @!p2 [sflag:s26], $0xA00  }
0x2c: {  	[sflag:s26] =	ssyncset.done @!p2 $0x0  }
0x2d: {  	s28 =	simm.s32 @!p2 $0x2;
	[sflag:s26] =	ssyncadd.s32 @!p2 $0xFFFFF600  }
0x2e: {  	_ =	swait.ge @!p2 [sflag:s28], $0xA00  }
0x2f: {  	[sflag:s28] =	ssyncset.done @!p2 $0x0  }
0x30: {  	[sflag:s28] =	ssyncadd.s32 @!p2 $0xFFFFF600;
	s28 =	simm.s32 @!p2 $0x3  }
0x31: {  	_ =	swait.ge @!p2 [sflag:s28], $0xA00  }
0x32: {  	[sflag:s28] =	ssyncset.done @!p2 $0x0  }
0x33: {  	[sflag:s28] =	ssyncadd.s32 @!p2 $0xFFFFF600  }
0x34: {  	s25 =	sadd.s32 @!p0 s9, s25;
	_ =	swait.ge @!p2 [sflag:s26], $0xA00  }
0x35: {  	s25 =	sshll.u32 @!p0 s25, $0x4;
	[sflag:s26] =	ssyncset.done @!p2 $0x0  }
0x36: {  	s28 =	simm.s32 @!p0 $0x0;
	[sflag:s26] =	ssyncadd.s32 @!p2 $0xFFFFF600;
	s26 =	sadd.s32 @!p0 s1, s25  }
0x37: {  	[tilespmem:s28], [sflag:$0x1] =	stream.linear.gather @!p0 [hbm4b:s26+s28], $0x1400, $0x38;
	[tilespmem:$0x1E800] =	vst v63  }
0x38: {  	s25 =	sadd.s32 @!p0 s25, s10;
	s26 =	simm.s32 @!p0 $0x1400  }
0x39: {  	[tilespmem:s26], [sflag:$0x2] =	stream.linear.gather @!p0 [hbm4b:s25+s28], $0x1400, $0x38;
	[tilespmem:$0x1E800] =	vst v63  }
0x3a: {  	s25 =	simm.s32 @!p0 $0x1  }
0x3b: {  	_ =	swait.ge @!p0 [sflag:s25], $0x1400  }
0x3c: {  	[sflag:s25] =	ssyncset.done @!p0 $0x0  }
0x3d: {  	[sflag:s25] =	ssyncadd.s32 @!p0 $0xFFFFEC00;
	s25 =	simm.s32 @!p0 $0x2  }
0x3e: {  	_ =	swait.ge @!p0 [sflag:s25], $0x1400  }
0x3f: {  	[sflag:s25] =	ssyncset.done @!p0 $0x0  }
0x40: {  	s28 =	simm.s32 $0x0;
	[sflag:s25] =	ssyncadd.s32 @!p0 $0xFFFFEC00  }
0x41: {  	[tilespmem:s17], [sflag:$0x2] =	stream.indirect.gather [hbm4b:s5+s16], $0x80, s28, s16, $0xb8;
	[tilespmem:$0x1E800] =	vst v63  }
0x42: {  	_ = 	snop  }
0x43: {  	[tilespmem:s18], [sflag:$0x3] =	stream.indirect.gather [hbm4b:s5+s16], $0x80, s16, s16, $0xb8;
	[tilespmem:$0x1E800] =	vst v63  }
0x44: {  	_ =	swait.ge [sflag:s19], $0x4000  }
0x45: {  	[sflag:s19] =	ssyncset.done $0x0  }
0x46: {  	s29 =	simm.s32 $0x1400;
	[sflag:s19] =	ssyncadd.s32 $0xFFFFC000  }
0x47: {  	[spmem:s3] =	stream.indirect.scatter.add.f32 [tilespmem:s17], [sflag:$0x4], $0x80, s29, s16, $0xb8;
	[tilespmem:$0x1E800] =	vst v63  }
0x48: {  	_ =	swait.ge [sflag:s20], $0x4000  }
0x49: {  	[sflag:s20] =	ssyncset.done $0x0  }
0x4a: {  	s30 =	simm.s32 $0x100;
	[sflag:s20] =	ssyncadd.s32 $0xFFFFC000  }
0x4b: {  	[tilespmem:s17], [sflag:$0x2] =	stream.indirect.gather [hbm4b:s5+s16], $0x80, s30, s16, $0xb8;
	[tilespmem:$0x1E800] =	vst v63  }
0x4c: {  	_ =	swait.ge [sflag:s21], $0x4000  }
0x4d: {  	[sflag:s21] =	ssyncset.done $0x0  }
0x4e: {  	s31 =	simm.s32 $0x1480;
	[sflag:s21] =	ssyncadd.s32 $0xFFFFC000  }
0x4f: {  	[spmem:s3] =	stream.indirect.scatter.add.f32 [tilespmem:s18], [sflag:$0x4], $0x80, s31, s16, $0xb8;
	[tilespmem:$0x1E800] =	vst v63  }
0x50: {  	_ =	swait.ge [sflag:s20], $0x4000  }
0x51: {  	[sflag:s20] =	ssyncset.done $0x0  }
0x52: {  	s26 =	simm.s32 $0x180;
	s25 =	simm.s32 $0x400;
	[sflag:s20] =	ssyncadd.s32 $0xFFFFC000  }
.LBB2_3:
0x53: {  	[tilespmem:s18], [sflag:$0x3] =	stream.indirect.gather [hbm4b:s5+s16], $0x80, s26, s16, $0xb8;
	[tilespmem:$0x1E800] =	vst v63  }
0x54: {  	s26 =	smov.u32 s25  }
0x55: {  	p2 =	sne.s32 s25, $0x4800;
	s25 =	sadd.s32 $0x400, s25;
	_ =	swait.ge [sflag:s19], $0x4000  }
0x56: {  	s26 =	sshra.s32 s26, $0x2;
	[sflag:s19] =	ssyncset.done $0x0  }
0x57: {  	s28 =	sadd.s32 $0x1400, s26;
	[sflag:s19] =	ssyncadd.s32 $0xFFFFC000  }
0x58: {  	[spmem:s3] =	stream.indirect.scatter.add.f32 [tilespmem:s17], [sflag:$0x4], $0x80, s28, s16, $0xb8;
	[tilespmem:$0x1E800] =	vst v63  }
0x59: {  	_ =	swait.ge [sflag:s20], $0x4000  }
0x5a: {  	[sflag:s20] =	ssyncset.done $0x0  }
0x5b: {  	s28 =	sadd.s32 $0x100, s26;
	[sflag:s20] =	ssyncadd.s32 $0xFFFFC000  }
0x5c: {  	[tilespmem:s17], [sflag:$0x2] =	stream.indirect.gather [hbm4b:s5+s16], $0x80, s28, s16, $0xb8;
	[tilespmem:$0x1E800] =	vst v63  }
0x5d: {  	_ =	swait.ge [sflag:s21], $0x4000  }
0x5e: {  	[sflag:s21] =	ssyncset.done $0x0  }
.Ltmp0:
0x5f: {  	s28 =	sadd.s32 $0x1480, s26;
	[sflag:s21] =	ssyncadd.s32 $0xFFFFC000;
	(pc) =	sbr.rel @p2 .LBB2_3-.Ltmp0, $4  }
0x60: {  	[spmem:s3] =	stream.indirect.scatter.add.f32 [tilespmem:s18], [sflag:$0x4], $0x80, s28, s16, $0xb8;
	[tilespmem:$0x1E800] =	vst v63  }
0x61: {  	_ =	swait.ge [sflag:s20], $0x4000  }
0x62: {  	[sflag:s20] =	ssyncset.done $0x0  }
0x63: {  	s26 =	sadd.s32 $0x180, s26;
	[sflag:s20] =	ssyncadd.s32 $0xFFFFC000  }
0x64: {  	[tilespmem:s18], [sflag:$0x3] =	stream.indirect.gather [hbm4b:s5+s16], $0x80, s26, s16, $0xb8;
	[tilespmem:$0x1E800] =	vst v63  }
0x65: {  	_ =	swait.ge [sflag:s19], $0x4000  }
0x66: {  	[sflag:s19] =	ssyncset.done $0x0  }
0x67: {  	[sflag:s19] =	ssyncadd.s32 $0xFFFFC000  }
0x68: {  	[spmem:s3] =	stream.indirect.scatter.add.f32 [tilespmem:s17], [sflag:$0x4], $0x80, s22, s16, $0xb8;
	[tilespmem:$0x1E800] =	vst v63  }
0x69: {  	_ =	swait.ge [sflag:s20], $0x4000  }
0x6a: {  	[sflag:s20] =	ssyncset.done $0x0  }
0x6b: {  	[sflag:s20] =	ssyncadd.s32 $0xFFFFC000  }
0x6c: {  	_ =	swait.ge [sflag:s21], $0x4000  }
0x6d: {  	[sflag:s21] =	ssyncset.done $0x0  }
.Ltmp1:
0x6e: {  	[sflag:s21] =	ssyncadd.s32 $0xFFFFC000;
	(pc) =	sbr.rel @p1 .LBB2_2-.Ltmp1, $4  }
0x6f: {  	[spmem:s3] =	stream.indirect.scatter.add.f32 [tilespmem:s18], [sflag:$0x4], $0x80, s23, s16, $0xb8;
	[tilespmem:$0x1E800] =	vst v63  }
0x70: {  	_ =	swait.ge [sflag:s20], $0x4000  }
0x71: {  	[sflag:s20] =	ssyncset.done $0x0  }
0x72: {  	s25 =	simm.s32 $0x28;
	p2 =	por $0x0, $0x0;
	[sflag:s20] =	ssyncadd.s32 $0xFFFFC000  }
0x73: {  	s4 =	sadd.s32 $0x1, s4  }
0x74: {  	p1 =	sne.s32 s4, s13  }
.Ltmp2:
0x75: {  	[bflag:$0x0] =	sbarrier.arrive $0xFFFF;
	(pc) =	sbr.rel @p1 .LBB2_1-.Ltmp2, $4  }
0x76: {  	[hbm:s24], [sflag:s8] =	dma.local [spmem:s14], $0x2800  }
0x77: {  	_ =	swait.ge [sflag:s15], $0x2800  }
0x78: {  	[sflag:s15] =	ssyncset.done $0x0  }
0x79: {  	[sflag:s15] =	ssyncadd.s32 $0xFFFFD800  }
0x7a: {  	_ =	sfence.sel $0x180000  }
0x7b: {  	[bflag:$0x0] =	sbarrier.arrive $0xFFFF  }
0x7c: {  	p0 =	sne.s32 s2, $0x0;
	_ =	strace $0x9000004A  }
0x7d: {  	s0 =	sadd.s32 @!p0 $0x100000, s0;
	[bflag:$0x2] =	sbarrier.arrive $0xFFFF  }
0x7e: {  	[sflag:s0] =	ssyncadd.tile.s32 @!p0 $0x1;
	_ =	shalt  }
.Lfunc_end2:
_tile_overlayer_lowered:
.L_overlay_start_2:
0x7f: {  	(tag) =	ssettag $0x2  }
0x80: {  	s0 =	rddreg [dreg:$0x0];
	s2 =	stileid.u32  }
0x81: {  	s1 =	rddreg [dreg:$0x1];
	p0 =	sne.s32 s2, $0x0  }
0x82: {  	s3 =	rddreg [dreg:$0x2];
	[bflag:$0x3] =	sbarrier.arrive $0xFFFF;
	s2 =	simm.s32 @!p0 $0x1C04  }
0x83: {  	[timem:s3], [sflag:s2] =	dma.local @!p0 [hbm:s0], s1  }
0x84: {  	s0 =	simm.s32 @!p0 $0x4  }
0x85: {  	_ =	swait.ge @!p0 [sflag:s0], s1  }
0x86: {  	s1 =	ssub.s32 @!p0 $0x0, s1;
	[sflag:s0] =	ssyncset.done @!p0 $0x0  }
0x87: {  	[sflag:s0] =	ssyncadd.s32 @!p0 s1  }
0x88: {  	[bflag:$0x3] =	sbarrier.arrive $0xFFFF  }
0x89: {  	_ =	shalt  }

// kernel: kernel.15.cloned.1.call-start
scs
__scs_entry_jumppad:
0x0: {  	(pc) =	sbr.rel $0x88, $3  }
0x1: {  	(tag) =	ssettag $0x0;
	lr =	simm.s32 $0x1  }
0x2: {  	[smem:$0x3F9B] =	sst lr;
	_ =	strace $0xD0000000  }
0x3: {  	_ = 	snop  }
0x4: {  	_ = 	snop  }
0x5: {  	_ = 	snop  }
0x6: {  	_ = 	snop  }
0x7: {  	_ = 	snop  }
__scs_overlays_trampoline_lowered:
0x8: {  	[smem:$0x3FAA] =	sst s0  }
0x9: {  	[smem:$0x3FAB] =	sst s1  }
0xa: {  	[smem:$0x3FAC] =	sst s2  }
0xb: {  	[smem:$0x3FAD] =	sst s3  }
0xc: {  	[smem:$0x3FAE] =	sst s4  }
0xd: {  	[smem:$0x3FAF] =	sst s5  }
0xe: {  	[smem:$0x3FB0] =	sst s6  }
0xf: {  	[smem:$0x3FB1] =	sst s7  }
0x10: {  	[smem:$0x3FB2] =	sst s8  }
0x11: {  	[smem:$0x3FB3] =	sst s9;
	s0 =	simm.s32 @!p0 $0x0  }
0x12: {  	s1 =	sld [smem:$0x3F99];
	s0 =	simm.s32 @p0 $0x1  }
0x13: {  	[smem:$0x3FB4] =	sst s0;
	s0 =	simm.s32 @!p1 $0x0  }
0x14: {  	s2 =	sld [smem:$0x3F98];
	s0 =	simm.s32 @p1 $0x1  }
0x15: {  	[smem:$0x3FB5] =	sst s0;
	s0 =	simm.s32 @!p2 $0x0  }
0x16: {  	s3 =	sld [smem:$0x3FDB];
	s0 =	simm.s32 @p2 $0x1  }
0x17: {  	s4 =	simm.s32 $0x1BF5;
	[smem:$0x3FB7] =	sst s0  }
0x18: {  	s0 =	sld [smem:$0x3F9A];
	_ =	swait.ge [sflag:s4], $0x0  }
0x19: {  	s7 =	sld [smem:$0x3F9B]  }
0x1a: {  	s8 =	sadd.s32 $0xFFFFE003, lr  }
0x1b: {  	s9 =	sadd.s32 $0xFFFFFEF7, lr;
	s5 =	simm.s32 $0xFFFFFFFF;
	p2 =	slt.u32 s8, $0xFFFFF086  }
0x1c: {  	p1 =	slt.u32 s9, $0xF7A;
	s5 =	simm.s32 @!p2 $0x0  }
0x1d: {  	s5 =	simm.s32 @p1 $0x1;
	p0 =	seq.s32 s7, s2  }
0x1e: {  	s7 =	smul.u32 @!p0 $0xF7A, s2;
	p2 =	seq.s32 @!p0 s5, $0x0  }
0x1f: {  	s9 =	smul.u32 $0xF7A, s1;
	s8 =	simm.s32 @!p0 $0x1BF5;
	p2 =	por !p2, p0  }
0x20: {  	[sflag:s8] =	ssyncset.s32 @!p0 $0xFFFFF086;
	s6 =	sadd.s32 @!p0 s3, s7;
	s7 =	simm.s32 @!p0 $0x108  }
0x21: {  	s3 =	sadd.s32 s3, s9;
	s6 =	sadd.s32 @!p0 $0x88, s6;
	s7 =	simm.s32 @p2 $0x1082  }
0x22: {  	[simem:s7], [sflag:s8] =	dma.local @!p0 [hbm:s6], $0xF7A  }
0x23: {  	s9 =	sor.u32 $0xD0000000, s2;
	s6 =	simm.s32 $0x108;
	_ =	swait.ge @!p0 [sflag:s8], $0x0  }
0x24: {  	s3 =	sadd.s32 $0x88, s3;
	s6 =	simm.s32 @!p1 $0x1082;
	[sflag:s4] =	ssyncset.s32 $0xFFFFF086  }
0x25: {  	[simem:s6], [sflag:s4] =	dma.local [hbm:s3], $0xF7A  }
0x26: {  	[smem:$0x3F9B] =	sst s1;
	(tag) =	ssettag s2;
	_ =	strace s9  }
0x27: {  	s1 =	sld [smem:$0x3FAB]  }
0x28: {  	s2 =	sld [smem:$0x3FAC]  }
0x29: {  	s4 =	sld [smem:$0x3FAE]  }
0x2a: {  	p0 =	seq.s32 s5, $0x0;
	s5 =	sld [smem:$0x3FAF]  }
0x2b: {  	s6 =	sld [smem:$0x3FB0]  }
0x2c: {  	s7 =	sld [smem:$0x3FB1]  }
0x2d: {  	s3 =	simm.s32 $0x108;
	s8 =	sld [smem:$0x3FB2]  }
0x2e: {  	s3 =	simm.s32 @!p0 $0x1082;
	s9 =	sld [smem:$0x3FB3]  }
0x2f: {  	lr =	sadd.s32 s0, s3;
	s0 =	sld [smem:$0x3FAA]  }
0x30: {  	s3 =	sld [smem:$0x3FAD]  }
0x31: {  	[smem:$0x3FB6] =	sst s10  }
0x32: {  	s10 =	sld [smem:$0x3FB4];
	_ =	sdelay $0x3  }
0x33: {  	p0 =	seq.s32 s10, $0x1;
	s10 =	sld [smem:$0x3FB6];
	_ =	sdelay $0x3  }
0x34: {  	[smem:$0x3FB6] =	sst s10  }
0x35: {  	s10 =	sld [smem:$0x3FB5];
	_ =	sdelay $0x3  }
0x36: {  	p1 =	seq.s32 s10, $0x1;
	s10 =	sld [smem:$0x3FB6];
	_ =	sdelay $0x3  }
0x37: {  	[smem:$0x3FB6] =	sst s10  }
0x38: {  	s10 =	sld [smem:$0x3FB7]  }
0x39: {  	_ = 	snop;
	(pc) =	sbr.ind lr, $3  }
0x3a: {  	_ = 	snop  }
0x3b: {  	_ = 	snop  }
0x3c: {  	p2 =	seq.s32 s10, $0x1;
	s10 =	sld [smem:$0x3FB6]  }
0x3d: {  	_ =	shalt  }
0x3e: {  	_ =	shalt  }
0x3f: {  	_ =	shalt  }
0x40: {  	_ =	shalt  }
0x41: {  	_ =	shalt  }
0x42: {  	_ =	shalt  }
0x43: {  	_ =	shalt  }
0x44: {  	_ =	shalt  }
0x45: {  	_ =	shalt  }
0x46: {  	_ =	shalt  }
0x47: {  	_ =	shalt  }
0x48: {  	_ =	shalt  }
0x49: {  	_ =	shalt  }
0x4a: {  	_ =	shalt  }
0x4b: {  	_ =	shalt  }
0x4c: {  	_ =	shalt  }
0x4d: {  	_ =	shalt  }
0x4e: {  	_ =	shalt  }
0x4f: {  	_ =	shalt  }
0x50: {  	_ =	shalt  }
0x51: {  	_ =	shalt  }
0x52: {  	_ =	shalt  }
0x53: {  	_ =	shalt  }
0x54: {  	_ =	shalt  }
0x55: {  	_ =	shalt  }
0x56: {  	_ =	shalt  }
0x57: {  	_ =	shalt  }
0x58: {  	_ =	shalt  }
0x59: {  	_ =	shalt  }
0x5a: {  	_ =	shalt  }
0x5b: {  	_ =	shalt  }
0x5c: {  	_ =	shalt  }
0x5d: {  	_ =	shalt  }
0x5e: {  	_ =	shalt  }
0x5f: {  	_ =	shalt  }
0x60: {  	_ =	shalt  }
0x61: {  	_ =	shalt  }
0x62: {  	_ =	shalt  }
0x63: {  	_ =	shalt  }
0x64: {  	_ =	shalt  }
0x65: {  	_ =	shalt  }
0x66: {  	_ =	shalt  }
0x67: {  	_ =	shalt  }
0x68: {  	_ =	shalt  }
0x69: {  	_ =	shalt  }
0x6a: {  	_ =	shalt  }
0x6b: {  	_ =	shalt  }
0x6c: {  	_ =	shalt  }
0x6d: {  	_ =	shalt  }
0x6e: {  	_ =	shalt  }
0x6f: {  	_ =	shalt  }
0x70: {  	_ =	shalt  }
0x71: {  	_ =	shalt  }
0x72: {  	_ =	shalt  }
0x73: {  	_ =	shalt  }
0x74: {  	_ =	shalt  }
0x75: {  	_ =	shalt  }
0x76: {  	_ =	shalt  }
0x77: {  	_ =	shalt  }
0x78: {  	_ =	shalt  }
0x79: {  	_ =	shalt  }
0x7a: {  	_ =	shalt  }
0x7b: {  	_ =	shalt  }
0x7c: {  	_ =	shalt  }
0x7d: {  	_ =	shalt  }
0x7e: {  	_ =	shalt  }
0x7f: {  	_ =	shalt  }
0x80: {  	_ =	shalt  }
0x81: {  	_ =	shalt  }
0x82: {  	_ =	shalt  }
0x83: {  	_ =	shalt  }
0x84: {  	_ =	shalt  }
0x85: {  	_ =	shalt  }
0x86: {  	_ =	shalt  }
0x87: {  	_ =	shalt  }
.Lfunc_end0:
.L_simem_size_0:
called_computation.2_lowered:
.L_overlay_start_0:
0x88: {  	s2 =	sld [smem:$0x3FD9]  }
0x89: {  	s3 =	sld [smem:$0x3FFE];
	_ =	sdelay $0x1  }
0x8a: {  	s1 =	srdreg.scid  }
0x8b: {  	s0 =	sand.u32 $0x1, s1  }
0x8c: {  	s14 =	sshll.u32 s0, $0xA;
	s2 =	sadd.s32 s3, s2  }
0x8d: {  	s2 =	sadd.s32 s2, s14  }
0x8e: {  	[smem:$0x3FC2] =	sst s2  }
0x8f: {  	_ = 	snop  }
0x90: {  	s2 =	sld [smem:$0x3FD0];
	_ =	sdelay $0x2  }
0x91: {  	s15 =	simm.s32 $0xA;
	s4 =	simm.s32 $0x10  }
0x92: {  	[smem:s4], [sflag:s15] =	dma.local [hbm:s2], $0x1  }
0x93: {  	_ =	swait.eq [sflag:s15], $0x1  }
0x94: {  	[sflag:s15] =	ssyncset.done $0x0  }
0x95: {  	[sflag:s15] =	ssyncadd.s32 $0xFFFFFFFF  }
0x96: {  	s16 =	sld [smem:$0x11];
	(tm) =	ssettm $0x1  }
0x97: {  	s17 =	sld [smem:$0x3FFB];
	_ =	sdelay $0x3  }
0x98: {  	_ =	strace s17  }
0x99: {  	s3 =	sld [smem:$0x3FFC];
	_ =	sdelay $0x3  }
0x9a: {  	_ =	strace s3  }
0x9b: {  	s3 =	sld [smem:$0x3FFD];
	_ =	sdelay $0x3  }
0x9c: {  	_ =	strace s3  }
0x9d: {  	_ =	strace $0x8FFFFFFF  }
0x9e: {  	s18 =	sld [smem:$0x3FDB];
	_ =	sdelay $0x1  }
0x9f: {  	s19 =	simm.s32 $_scs_section_size  }
0xa0: {  	s5 =	simm.s32 $_size__tile_overlayer_lowered;
	s6 =	simm.s32 $_tile_overlayer_lowered  }
0xa1: {  	s22 =	simm.s32 $0x1BFF;
	s21 =	sshll.u32 s6, $0x1;
	s3 =	sadd.s32 s19, s18  }
0xa2: {  	s7 =	simm.s32 $0x0;
	s20 =	sshll.u32 s5, $0x1;
	s5 =	sadd.s32 s21, s3  }
0xa3: {  	[timem:s7], [sflag:s22] =	dma.local [hbm:s5], s20  }
0xa4: {  	_ =	swait.ge [sflag:s22], s20  }
0xa5: {  	s4 =	ssub.s32 $0x0, s20;
	[sflag:s22] =	ssyncset.done $0x0  }
0xa6: {  	[sflag:s22] =	ssyncadd.s32 s4;
	_ =	sdelay $0x1  }
0xa7: {  	s23 =	simm.s32 $0x1B8B  }
0xa8: {  	_ =	swait.ge [sflag:s23], $0x1  }
0xa9: {  	[sflag:s23] =	ssyncset.done $0x0  }
0xaa: {  	s25 =	simm.s32 $0x1B8E;
	s24 =	sld [smem:$0x3FFE];
	[sflag:s23] =	ssyncadd.s32 $0xFFFFFFFF  }
0xab: {  	s26 =	simm.s32 $execute0_lowered;
	[smem:$0x3FD2] =	sst s25  }
0xac: {  	s5 =	sshll.u32 s26, $0x1;
	_ =	strace $0x8000004C;
	[dreg:$0x1] =	wrdreg $0xFFFFFFFF  }
0xad: {  	s28 =	simm.s32 $_size_execute0_lowered;
	s3 =	sadd.s32 s3, s5;
	[dreg:$0x0] =	wrdreg $0x0  }
0xae: {  	s5 =	sshll.u32 s28, $0x1;
	[dreg:$0x2] =	wrdreg s3  }
0xaf: {  	[dreg:$0x3] =	wrdreg s5  }
0xb0: {  	[dreg:$0x4] =	wrdreg $0xC0  }
0xb1: {  	_ =	task [dreg:s7], $0x5FFFF  }
0xb2: {  	[dreg:$0x1] =	wrdreg $0xFFFFFFFF  }
0xb3: {  	[dreg:$0x0] =	wrdreg $0x60  }
0xb4: {  	[dreg:$0x2] =	wrdreg s24  }
0xb5: {  	[dreg:$0x3] =	wrdreg s16  }
0xb6: {  	[dreg:$0x4] =	wrdreg $0x68000  }
0xb7: {  	[dreg:$0x5] =	wrdreg $0x9  }
0xb8: {  	_ =	task.clear_ibuf [dreg:s7], $0x6FFFF;
	_ =	strace $0x9000004C  }
0xb9: {  	s29 =	simm.s32 $0x9;
	_ =	strace $0x8000004E  }
0xba: {  	_ =	swait.ge [sflag:s29], $0x1  }
0xbb: {  	[sflag:s29] =	ssyncadd.s32 $0xFFFFFFFF  }
0xbc: {  	_ =	strace $0x9000004E  }
0xbd: {  	_ =	sfence  }
0xbe: {  	s30 =	sld [smem:$0x0];
	_ =	sdelay $0x2  }
0xbf: {  	s31 =	sshll.u32 s1, $0xD;
	s1 =	sshrl.u32 s1, $0x2  }
0xc0: {  	s3 =	sand.u32 $0x4000, s31;
	s1 =	sadd.s32 s1, s30  }
0xc1: {  	s0 =	sor.u32 s3, s0;
	s1 =	sshll.u32 s1, $0x11  }
0xc2: {  	s0 =	sor.u32 s1, s0  }
0xc3: {  	s0 =	sadd.s32 $0x8F2B, s0  }
0xc4: {  	[sflag:s0] =	ssyncadd.remote.s32 $0x1  }
0xc5: {  	_ =	sfence.sel $0xFFFF  }
0xc6: {  	[dreg:$0x0] =	wrdreg $0xFFFFFFFF;
	(pc) =	sbr.abs _section_cstart, $3  }
0xc7: {  	[dreg:$0x1] =	wrdreg $0xFFFFFFFF  }
0xc8: {  	_ =	task.clear_ibuf [dreg:s7], $0x2FFFF;
	_ =	strace $0x9FFFFFFF  }
0xc9: {  	(tm) =	ssettm $0x7FFFFFFF  }
tec
execute0_lowered:
.L_overlay_start_1:
0x0: {  	(tag) =	ssettag $0x1  }
0x1: {  	s11 =	rddreg [dreg:$0x0]  }
0x2: {  	s1 =	rddreg [dreg:$0x1]  }
0x3: {  	s3 =	rddreg [dreg:$0x2]  }
0x4: {  	s0 =	rddreg [dreg:$0x3];
	s4 =	simm.s32 $0x0  }
0x5: {  	s2 =	stileid.u32;
	s5 =	srdreg.scid;
	s17 =	simm.s32 $0x2800  }
0x6: {  	s18 =	simm.s32 $0x4800;
	s19 =	simm.s32 $0x2;
	s20 =	simm.s32 $0x4  }
0x7: {  	s21 =	simm.s32 $0x3;
	s22 =	simm.s32 $0x2700;
	s23 =	simm.s32 $0x2780  }
0x8: {  	[smem:$0x7FF] =	sst s4;
	s7 =	smul.u32 $0xA000, s2;
	s8 =	sand.u32 $0x1, s5  }
0x9: {  	s5 =	sadd.s32 $0x2C00, s11;
	s6 =	sadd.s32 $0x2800, s11;
	s14 =	sshll.u32 s2, $0x1  }
0xa: {  	s30 =	sshll.u32 s2, $0x6;
	_ =	strace $0x8000004D;
	s9 =	smul.u32 $0x14000, s8  }
0xb: {  	s12 =	ssub.s32 $0x2, s8;
	s16 =	sor.u32 s8, s14;
	s8 =	sor.u32 $0x1C01, s30  }
0xc: {  	s24 =	sshrl.u32 s7, $0x3;
	s29 =	sshrl.u32 s12, $0x1;
	s31 =	sadd.s32 s7, s3  }
0xd: {  	p0 =	seq.s32 s16, $0x1F;
	s10 =	sadd.s32 s24, s11;
	s13 =	sadd.s32 s9, s11  }
0xe: {  	s15 =	ssub.s32 s12, s29;
	s9 =	smul.u32 $0x50, s16;
	s11 =	sadd.s32 $0x2940, s11  }
0xf: {  	s12 =	sadd.s32 $0x9B00, s1;
	s14 =	sshrl.u32 s31, $0x3;
	s16 =	simm.s32 $0x80  }
0x10: {  	s7 =	sadd.s32 $0x16C00, s10;
	s10 =	sadd.s32 $0x9C40, s1;
	s25 =	sadd.s32 $0x2AC00, s13  }
0x11: {  	s13 =	smax.u32 s15, $0x1;
	s15 =	simm.s32 $0x1;
	s24 =	sadd.s32 s24, s25  }
.LBB2_1:
0x12: {  	[spmem:s14], [sflag:s8] =	dma.local [hbm:s7], $0x1400  }
0x13: {  	_ =	swait.ge [sflag:s15], $0x1400  }
0x14: {  	[sflag:s15] =	ssyncset.done $0x0  }
0x15: {  	[sflag:s15] =	ssyncadd.s32 $0xFFFFEC00  }
0x16: {  	p2 =	por $0x1, $0x1;
	s25 =	simm.s32 $0x0;
	[bflag:$0x0] =	sbarrier.arrive $0xFFFF  }
.LBB2_2:
0x17: {  	p3 =	por p2, !p0  }
0x18: {  	s26 =	simm.s32 @!p3 $0x0  }
0x19: {  	[tilespmem:s26], [sflag:$0x1] =	stream.linear.gather @!p3 [hbm4b:s11+s26], $0x1400, $0x38;
	[tilespmem:$0x10800] =	vst v63  }
0x1a: {  	s28 =	simm.s32 @!p3 $0x1400  }
0x1b: {  	[tilespmem:s28], [sflag:$0x2] =	stream.linear.gather @!p3 [hbm4b:s11+s26], $0x1400, $0x38;
	[tilespmem:$0x10800] =	vst v63  }
0x1c: {  	s26 =	simm.s32 @!p3 $0x1  }
0x1d: {  	_ =	swait.ge @!p3 [sflag:s26], $0x1400  }
0x1e: {  	[sflag:s26] =	ssyncset.done @!p3 $0x0  }
0x1f: {  	[sflag:s26] =	ssyncadd.s32 @!p3 $0xFFFFEC00;
	s26 =	simm.s32 @!p3 $0x2  }
0x20: {  	_ =	swait.ge @!p3 [sflag:s26], $0x1400  }
0x21: {  	p1 =	por p2, p2;
	p2 =	por !p2, !p0;
	[sflag:s26] =	ssyncset.done @!p3 $0x0  }
0x22: {  	[sflag:s26] =	ssyncadd.s32 @!p3 $0xFFFFEC00;
	s26 =	simm.s32 @!p2 $0x0  }
0x23: {  	[tilespmem:s26], [sflag:$0x1] =	stream.linear.gather @!p2 [hbm4b:s12+s26], $0xA00, $0x38;
	[tilespmem:$0x10800] =	vst v63  }
0x24: {  	s28 =	simm.s32 @!p2 $0xA00  }
0x25: {  	[tilespmem:s28], [sflag:$0x2] =	stream.linear.gather @!p2 [hbm4b:s6+s26], $0xA00, $0x38;
	[tilespmem:$0x10800] =	vst v63  }
0x26: {  	s29 =	simm.s32 @!p2 $0x1400;
	s28 =	sadd.s32 @!p2 $0x9B00, s10  }
0x27: {  	[tilespmem:s29], [sflag:$0x3] =	stream.linear.gather @!p2 [hbm4b:s28+s26], $0xA00, $0x38;
	[tilespmem:$0x10800] =	vst v63  }
0x28: {  	s28 =	simm.s32 @!p2 $0x1E00  }
0x29: {  	[tilespmem:s28], [sflag:$0x1] =	stream.linear.gather @!p2 [hbm4b:s6+s26], $0xA00, $0x38;
	[tilespmem:$0x10800] =	vst v63  }
0x2a: {  	s26 =	simm.s32 @!p2 $0x1  }
0x2b: {  	_ =	swait.ge @!p2 [sflag:s26], $0xA00  }
0x2c: {  	[sflag:s26] =	ssyncset.done @!p2 $0x0  }
0x2d: {  	s28 =	simm.s32 @!p2 $0x2;
	[sflag:s26] =	ssyncadd.s32 @!p2 $0xFFFFF600  }
0x2e: {  	_ =	swait.ge @!p2 [sflag:s28], $0xA00  }
0x2f: {  	[sflag:s28] =	ssyncset.done @!p2 $0x0  }
0x30: {  	[sflag:s28] =	ssyncadd.s32 @!p2 $0xFFFFF600;
	s28 =	simm.s32 @!p2 $0x3  }
0x31: {  	_ =	swait.ge @!p2 [sflag:s28], $0xA00  }
0x32: {  	[sflag:s28] =	ssyncset.done @!p2 $0x0  }
0x33: {  	[sflag:s28] =	ssyncadd.s32 @!p2 $0xFFFFF600  }
0x34: {  	s25 =	sadd.s32 @!p0 s9, s25;
	_ =	swait.ge @!p2 [sflag:s26], $0xA00  }
0x35: {  	s25 =	sshll.u32 @!p0 s25, $0x4;
	[sflag:s26] =	ssyncset.done @!p2 $0x0  }
0x36: {  	s28 =	simm.s32 @!p0 $0x0;
	[sflag:s26] =	ssyncadd.s32 @!p2 $0xFFFFF600;
	s26 =	sadd.s32 @!p0 s1, s25  }
0x37: {  	[tilespmem:s28], [sflag:$0x1] =	stream.linear.gather @!p0 [hbm4b:s26+s28], $0x1400, $0x38;
	[tilespmem:$0x10800] =	vst v63  }
0x38: {  	s25 =	sadd.s32 @!p0 s25, s10;
	s26 =	simm.s32 @!p0 $0x1400  }
0x39: {  	[tilespmem:s26], [sflag:$0x2] =	stream.linear.gather @!p0 [hbm4b:s25+s28], $0x1400, $0x38;
	[tilespmem:$0x10800] =	vst v63  }
0x3a: {  	s25 =	simm.s32 @!p0 $0x1  }
0x3b: {  	_ =	swait.ge @!p0 [sflag:s25], $0x1400  }
0x3c: {  	[sflag:s25] =	ssyncset.done @!p0 $0x0  }
0x3d: {  	[sflag:s25] =	ssyncadd.s32 @!p0 $0xFFFFEC00;
	s25 =	simm.s32 @!p0 $0x2  }
0x3e: {  	_ =	swait.ge @!p0 [sflag:s25], $0x1400  }
0x3f: {  	[sflag:s25] =	ssyncset.done @!p0 $0x0  }
0x40: {  	s28 =	simm.s32 $0x0;
	[sflag:s25] =	ssyncadd.s32 @!p0 $0xFFFFEC00  }
0x41: {  	[tilespmem:s17], [sflag:$0x2] =	stream.indirect.gather [hbm4b:s5+s16], $0x40, s28, s16, $0xb8;
	[tilespmem:$0x10800] =	vst v63  }
0x42: {  	_ = 	snop  }
0x43: {  	[tilespmem:s18], [sflag:$0x3] =	stream.indirect.gather [hbm4b:s5+s16], $0x40, s16, s16, $0xb8;
	[tilespmem:$0x10800] =	vst v63  }
0x44: {  	_ =	swait.ge [sflag:s19], $0x2000  }
0x45: {  	[sflag:s19] =	ssyncset.done $0x0  }
0x46: {  	s29 =	simm.s32 $0x1400;
	[sflag:s19] =	ssyncadd.s32 $0xFFFFE000  }
0x47: {  	[spmem:s3] =	stream.indirect.scatter.add.f32 [tilespmem:s17], [sflag:$0x4], $0x40, s29, s16, $0xb8;
	[tilespmem:$0x10800] =	vst v63  }
0x48: {  	_ =	swait.ge [sflag:s20], $0x2000  }
0x49: {  	[sflag:s20] =	ssyncset.done $0x0  }
0x4a: {  	s30 =	simm.s32 $0x100;
	[sflag:s20] =	ssyncadd.s32 $0xFFFFE000  }
0x4b: {  	[tilespmem:s17], [sflag:$0x2] =	stream.indirect.gather [hbm4b:s5+s16], $0x40, s30, s16, $0xb8;
	[tilespmem:$0x10800] =	vst v63  }
0x4c: {  	_ =	swait.ge [sflag:s21], $0x2000  }
0x4d: {  	[sflag:s21] =	ssyncset.done $0x0  }
0x4e: {  	s31 =	simm.s32 $0x1480;
	[sflag:s21] =	ssyncadd.s32 $0xFFFFE000  }
0x4f: {  	[spmem:s3] =	stream.indirect.scatter.add.f32 [tilespmem:s18], [sflag:$0x4], $0x40, s31, s16, $0xb8;
	[tilespmem:$0x10800] =	vst v63  }
0x50: {  	_ =	swait.ge [sflag:s20], $0x2000  }
0x51: {  	[sflag:s20] =	ssyncset.done $0x0  }
0x52: {  	s26 =	simm.s32 $0x180;
	s25 =	simm.s32 $0x400;
	[sflag:s20] =	ssyncadd.s32 $0xFFFFE000  }
.LBB2_3:
0x53: {  	[tilespmem:s18], [sflag:$0x3] =	stream.indirect.gather [hbm4b:s5+s16], $0x40, s26, s16, $0xb8;
	[tilespmem:$0x10800] =	vst v63  }
0x54: {  	s26 =	smov.u32 s25  }
0x55: {  	p2 =	sne.s32 s25, $0x4800;
	s25 =	sadd.s32 $0x400, s25;
	_ =	swait.ge [sflag:s19], $0x2000  }
0x56: {  	s26 =	sshra.s32 s26, $0x2;
	[sflag:s19] =	ssyncset.done $0x0  }
0x57: {  	s28 =	sadd.s32 $0x1400, s26;
	[sflag:s19] =	ssyncadd.s32 $0xFFFFE000  }
0x58: {  	[spmem:s3] =	stream.indirect.scatter.add.f32 [tilespmem:s17], [sflag:$0x4], $0x40, s28, s16, $0xb8;
	[tilespmem:$0x10800] =	vst v63  }
0x59: {  	_ =	swait.ge [sflag:s20], $0x2000  }
0x5a: {  	[sflag:s20] =	ssyncset.done $0x0  }
0x5b: {  	s28 =	sadd.s32 $0x100, s26;
	[sflag:s20] =	ssyncadd.s32 $0xFFFFE000  }
0x5c: {  	[tilespmem:s17], [sflag:$0x2] =	stream.indirect.gather [hbm4b:s5+s16], $0x40, s28, s16, $0xb8;
	[tilespmem:$0x10800] =	vst v63  }
0x5d: {  	_ =	swait.ge [sflag:s21], $0x2000  }
0x5e: {  	[sflag:s21] =	ssyncset.done $0x0  }
.Ltmp0:
0x5f: {  	s28 =	sadd.s32 $0x1480, s26;
	[sflag:s21] =	ssyncadd.s32 $0xFFFFE000;
	(pc) =	sbr.rel @p2 .LBB2_3-.Ltmp0, $4  }
0x60: {  	[spmem:s3] =	stream.indirect.scatter.add.f32 [tilespmem:s18], [sflag:$0x4], $0x40, s28, s16, $0xb8;
	[tilespmem:$0x10800] =	vst v63  }
0x61: {  	_ =	swait.ge [sflag:s20], $0x2000  }
0x62: {  	[sflag:s20] =	ssyncset.done $0x0  }
0x63: {  	s26 =	sadd.s32 $0x180, s26;
	[sflag:s20] =	ssyncadd.s32 $0xFFFFE000  }
0x64: {  	[tilespmem:s18], [sflag:$0x3] =	stream.indirect.gather [hbm4b:s5+s16], $0x40, s26, s16, $0xb8;
	[tilespmem:$0x10800] =	vst v63  }
0x65: {  	_ =	swait.ge [sflag:s19], $0x2000  }
0x66: {  	[sflag:s19] =	ssyncset.done $0x0  }
0x67: {  	[sflag:s19] =	ssyncadd.s32 $0xFFFFE000  }
0x68: {  	[spmem:s3] =	stream.indirect.scatter.add.f32 [tilespmem:s17], [sflag:$0x4], $0x40, s22, s16, $0xb8;
	[tilespmem:$0x10800] =	vst v63  }
0x69: {  	_ =	swait.ge [sflag:s20], $0x2000  }
0x6a: {  	[sflag:s20] =	ssyncset.done $0x0  }
0x6b: {  	[sflag:s20] =	ssyncadd.s32 $0xFFFFE000  }
0x6c: {  	_ =	swait.ge [sflag:s21], $0x2000  }
0x6d: {  	[sflag:s21] =	ssyncset.done $0x0  }
.Ltmp1:
0x6e: {  	[sflag:s21] =	ssyncadd.s32 $0xFFFFE000;
	(pc) =	sbr.rel @p1 .LBB2_2-.Ltmp1, $4  }
0x6f: {  	[spmem:s3] =	stream.indirect.scatter.add.f32 [tilespmem:s18], [sflag:$0x4], $0x40, s23, s16, $0xb8;
	[tilespmem:$0x10800] =	vst v63  }
0x70: {  	_ =	swait.ge [sflag:s20], $0x2000  }
0x71: {  	[sflag:s20] =	ssyncset.done $0x0  }
0x72: {  	s25 =	simm.s32 $0x28;
	p2 =	por $0x0, $0x0;
	[sflag:s20] =	ssyncadd.s32 $0xFFFFE000  }
0x73: {  	s4 =	sadd.s32 $0x1, s4  }
0x74: {  	p1 =	sne.s32 s4, s13  }
.Ltmp2:
0x75: {  	[bflag:$0x0] =	sbarrier.arrive $0xFFFF;
	(pc) =	sbr.rel @p1 .LBB2_1-.Ltmp2, $4  }
0x76: {  	[hbm:s24], [sflag:s8] =	dma.local [spmem:s14], $0x1400  }
0x77: {  	_ =	swait.ge [sflag:s15], $0x1400  }
0x78: {  	[sflag:s15] =	ssyncset.done $0x0  }
0x79: {  	[sflag:s15] =	ssyncadd.s32 $0xFFFFEC00  }
0x7a: {  	_ =	sfence.sel $0x180000  }
0x7b: {  	[bflag:$0x0] =	sbarrier.arrive $0xFFFF  }
0x7c: {  	p0 =	sne.s32 s2, $0x0;
	_ =	strace $0x9000004D  }
0x7d: {  	s0 =	sadd.s32 @!p0 $0x100000, s0;
	[bflag:$0x2] =	sbarrier.arrive $0xFFFF  }
0x7e: {  	[sflag:s0] =	ssyncadd.tile.s32 @!p0 $0x1;
	_ =	shalt  }
.Lfunc_end2:
_tile_overlayer_lowered:
.L_overlay_start_2:
0x7f: {  	(tag) =	ssettag $0x2  }
0x80: {  	s0 =	rddreg [dreg:$0x0];
	s2 =	stileid.u32  }
0x81: {  	s1 =	rddreg [dreg:$0x1];
	p0 =	sne.s32 s2, $0x0  }
0x82: {  	s3 =	rddreg [dreg:$0x2];
	[bflag:$0x3] =	sbarrier.arrive $0xFFFF;
	s2 =	simm.s32 @!p0 $0x1C04  }
0x83: {  	[timem:s3], [sflag:s2] =	dma.local @!p0 [hbm:s0], s1  }
0x84: {  	s0 =	simm.s32 @!p0 $0x4  }
0x85: {  	_ =	swait.ge @!p0 [sflag:s0], s1  }
0x86: {  	s1 =	ssub.s32 @!p0 $0x0, s1;
	[sflag:s0] =	ssyncset.done @!p0 $0x0  }
0x87: {  	[sflag:s0] =	ssyncadd.s32 @!p0 s1  }
0x88: {  	[bflag:$0x3] =	sbarrier.arrive $0xFFFF  }
0x89: {  	_ =	shalt  }

// kernel: kernel.9.cloned.1.call-start
scs
__scs_entry_jumppad:
0x0: {  	(pc) =	sbr.rel $0x88, $3  }
0x1: {  	(tag) =	ssettag $0x0;
	lr =	simm.s32 $0x1  }
0x2: {  	[smem:$0x3F9B] =	sst lr;
	_ =	strace $0xD0000000  }
0x3: {  	_ = 	snop  }
0x4: {  	_ = 	snop  }
0x5: {  	_ = 	snop  }
0x6: {  	_ = 	snop  }
0x7: {  	_ = 	snop  }
__scs_overlays_trampoline_lowered:
0x8: {  	[smem:$0x3FAA] =	sst s0  }
0x9: {  	[smem:$0x3FAB] =	sst s1  }
0xa: {  	[smem:$0x3FAC] =	sst s2  }
0xb: {  	[smem:$0x3FAD] =	sst s3  }
0xc: {  	[smem:$0x3FAE] =	sst s4  }
0xd: {  	[smem:$0x3FAF] =	sst s5  }
0xe: {  	[smem:$0x3FB0] =	sst s6  }
0xf: {  	[smem:$0x3FB1] =	sst s7  }
0x10: {  	[smem:$0x3FB2] =	sst s8  }
0x11: {  	[smem:$0x3FB3] =	sst s9;
	s0 =	simm.s32 @!p0 $0x0  }
0x12: {  	s1 =	sld [smem:$0x3F99];
	s0 =	simm.s32 @p0 $0x1  }
0x13: {  	[smem:$0x3FB4] =	sst s0;
	s0 =	simm.s32 @!p1 $0x0  }
0x14: {  	s2 =	sld [smem:$0x3F98];
	s0 =	simm.s32 @p1 $0x1  }
0x15: {  	[smem:$0x3FB5] =	sst s0;
	s0 =	simm.s32 @!p2 $0x0  }
0x16: {  	s3 =	sld [smem:$0x3FDB];
	s0 =	simm.s32 @p2 $0x1  }
0x17: {  	s4 =	simm.s32 $0x1BF5;
	[smem:$0x3FB7] =	sst s0  }
0x18: {  	s0 =	sld [smem:$0x3F9A];
	_ =	swait.ge [sflag:s4], $0x0  }
0x19: {  	s7 =	sld [smem:$0x3F9B]  }
0x1a: {  	s8 =	sadd.s32 $0xFFFFE003, lr  }
0x1b: {  	s9 =	sadd.s32 $0xFFFFFEF7, lr;
	s5 =	simm.s32 $0xFFFFFFFF;
	p2 =	slt.u32 s8, $0xFFFFF086  }
0x1c: {  	p1 =	slt.u32 s9, $0xF7A;
	s5 =	simm.s32 @!p2 $0x0  }
0x1d: {  	s5 =	simm.s32 @p1 $0x1;
	p0 =	seq.s32 s7, s2  }
0x1e: {  	s7 =	smul.u32 @!p0 $0xF7A, s2;
	p2 =	seq.s32 @!p0 s5, $0x0  }
0x1f: {  	s9 =	smul.u32 $0xF7A, s1;
	s8 =	simm.s32 @!p0 $0x1BF5;
	p2 =	por !p2, p0  }
0x20: {  	[sflag:s8] =	ssyncset.s32 @!p0 $0xFFFFF086;
	s6 =	sadd.s32 @!p0 s3, s7;
	s7 =	simm.s32 @!p0 $0x108  }
0x21: {  	s3 =	sadd.s32 s3, s9;
	s6 =	sadd.s32 @!p0 $0x88, s6;
	s7 =	simm.s32 @p2 $0x1082  }
0x22: {  	[simem:s7], [sflag:s8] =	dma.local @!p0 [hbm:s6], $0xF7A  }
0x23: {  	s9 =	sor.u32 $0xD0000000, s2;
	s6 =	simm.s32 $0x108;
	_ =	swait.ge @!p0 [sflag:s8], $0x0  }
0x24: {  	s3 =	sadd.s32 $0x88, s3;
	s6 =	simm.s32 @!p1 $0x1082;
	[sflag:s4] =	ssyncset.s32 $0xFFFFF086  }
0x25: {  	[simem:s6], [sflag:s4] =	dma.local [hbm:s3], $0xF7A  }
0x26: {  	[smem:$0x3F9B] =	sst s1;
	(tag) =	ssettag s2;
	_ =	strace s9  }
0x27: {  	s1 =	sld [smem:$0x3FAB]  }
0x28: {  	s2 =	sld [smem:$0x3FAC]  }
0x29: {  	s4 =	sld [smem:$0x3FAE]  }
0x2a: {  	p0 =	seq.s32 s5, $0x0;
	s5 =	sld [smem:$0x3FAF]  }
0x2b: {  	s6 =	sld [smem:$0x3FB0]  }
0x2c: {  	s7 =	sld [smem:$0x3FB1]  }
0x2d: {  	s3 =	simm.s32 $0x108;
	s8 =	sld [smem:$0x3FB2]  }
0x2e: {  	s3 =	simm.s32 @!p0 $0x1082;
	s9 =	sld [smem:$0x3FB3]  }
0x2f: {  	lr =	sadd.s32 s0, s3;
	s0 =	sld [smem:$0x3FAA]  }
0x30: {  	s3 =	sld [smem:$0x3FAD]  }
0x31: {  	[smem:$0x3FB6] =	sst s10  }
0x32: {  	s10 =	sld [smem:$0x3FB4];
	_ =	sdelay $0x3  }
0x33: {  	p0 =	seq.s32 s10, $0x1;
	s10 =	sld [smem:$0x3FB6];
	_ =	sdelay $0x3  }
0x34: {  	[smem:$0x3FB6] =	sst s10  }
0x35: {  	s10 =	sld [smem:$0x3FB5];
	_ =	sdelay $0x3  }
0x36: {  	p1 =	seq.s32 s10, $0x1;
	s10 =	sld [smem:$0x3FB6];
	_ =	sdelay $0x3  }
0x37: {  	[smem:$0x3FB6] =	sst s10  }
0x38: {  	s10 =	sld [smem:$0x3FB7]  }
0x39: {  	_ = 	snop;
	(pc) =	sbr.ind lr, $3  }
0x3a: {  	_ = 	snop  }
0x3b: {  	_ = 	snop  }
0x3c: {  	p2 =	seq.s32 s10, $0x1;
	s10 =	sld [smem:$0x3FB6]  }
0x3d: {  	_ =	shalt  }
0x3e: {  	_ =	shalt  }
0x3f: {  	_ =	shalt  }
0x40: {  	_ =	shalt  }
0x41: {  	_ =	shalt  }
0x42: {  	_ =	shalt  }
0x43: {  	_ =	shalt  }
0x44: {  	_ =	shalt  }
0x45: {  	_ =	shalt  }
0x46: {  	_ =	shalt  }
0x47: {  	_ =	shalt  }
0x48: {  	_ =	shalt  }
0x49: {  	_ =	shalt  }
0x4a: {  	_ =	shalt  }
0x4b: {  	_ =	shalt  }
0x4c: {  	_ =	shalt  }
0x4d: {  	_ =	shalt  }
0x4e: {  	_ =	shalt  }
0x4f: {  	_ =	shalt  }
0x50: {  	_ =	shalt  }
0x51: {  	_ =	shalt  }
0x52: {  	_ =	shalt  }
0x53: {  	_ =	shalt  }
0x54: {  	_ =	shalt  }
0x55: {  	_ =	shalt  }
0x56: {  	_ =	shalt  }
0x57: {  	_ =	shalt  }
0x58: {  	_ =	shalt  }
0x59: {  	_ =	shalt  }
0x5a: {  	_ =	shalt  }
0x5b: {  	_ =	shalt  }
0x5c: {  	_ =	shalt  }
0x5d: {  	_ =	shalt  }
0x5e: {  	_ =	shalt  }
0x5f: {  	_ =	shalt  }
0x60: {  	_ =	shalt  }
0x61: {  	_ =	shalt  }
0x62: {  	_ =	shalt  }
0x63: {  	_ =	shalt  }
0x64: {  	_ =	shalt  }
0x65: {  	_ =	shalt  }
0x66: {  	_ =	shalt  }
0x67: {  	_ =	shalt  }
0x68: {  	_ =	shalt  }
0x69: {  	_ =	shalt  }
0x6a: {  	_ =	shalt  }
0x6b: {  	_ =	shalt  }
0x6c: {  	_ =	shalt  }
0x6d: {  	_ =	shalt  }
0x6e: {  	_ =	shalt  }
0x6f: {  	_ =	shalt  }
0x70: {  	_ =	shalt  }
0x71: {  	_ =	shalt  }
0x72: {  	_ =	shalt  }
0x73: {  	_ =	shalt  }
0x74: {  	_ =	shalt  }
0x75: {  	_ =	shalt  }
0x76: {  	_ =	shalt  }
0x77: {  	_ =	shalt  }
0x78: {  	_ =	shalt  }
0x79: {  	_ =	shalt  }
0x7a: {  	_ =	shalt  }
0x7b: {  	_ =	shalt  }
0x7c: {  	_ =	shalt  }
0x7d: {  	_ =	shalt  }
0x7e: {  	_ =	shalt  }
0x7f: {  	_ =	shalt  }
0x80: {  	_ =	shalt  }
0x81: {  	_ =	shalt  }
0x82: {  	_ =	shalt  }
0x83: {  	_ =	shalt  }
0x84: {  	_ =	shalt  }
0x85: {  	_ =	shalt  }
0x86: {  	_ =	shalt  }
0x87: {  	_ =	shalt  }
.Lfunc_end0:
.L_simem_size_0:
called_computation_lowered:
.L_overlay_start_0:
0x88: {  	s2 =	sld [smem:$0x3FD9]  }
0x89: {  	s3 =	sld [smem:$0x3FFE];
	_ =	sdelay $0x1  }
0x8a: {  	s1 =	srdreg.scid  }
0x8b: {  	s0 =	sand.u32 $0x1, s1  }
0x8c: {  	s14 =	sshll.u32 s0, $0xA;
	s2 =	sadd.s32 s3, s2  }
0x8d: {  	s2 =	sadd.s32 s2, s14  }
0x8e: {  	[smem:$0x3FC2] =	sst s2  }
0x8f: {  	_ = 	snop  }
0x90: {  	s2 =	sld [smem:$0x3FD0];
	_ =	sdelay $0x2  }
0x91: {  	s4 =	simm.s32 $0xA;
	s5 =	simm.s32 $0x10;
	s15 =	sld [smem:$0x3FC8]  }
0x92: {  	[smem:s5], [sflag:s4] =	dma.local [hbm:s2], $0x1  }
0x93: {  	_ =	swait.eq [sflag:s4], $0x1  }
0x94: {  	[sflag:s4] =	ssyncset.done $0x0  }
0x95: {  	[sflag:s4] =	ssyncadd.s32 $0xFFFFFFFF  }
0x96: {  	s16 =	sld [smem:$0x10];
	(tm) =	ssettm $0x1  }
0x97: {  	s17 =	sld [smem:$0x3FFB];
	_ =	sdelay $0x3  }
0x98: {  	_ =	strace s17  }
0x99: {  	s4 =	sld [smem:$0x3FFC];
	_ =	sdelay $0x3  }
0x9a: {  	_ =	strace s4  }
0x9b: {  	s4 =	sld [smem:$0x3FFD];
	_ =	sdelay $0x3  }
0x9c: {  	_ =	strace s4  }
0x9d: {  	_ =	strace $0x8FFFFFFF  }
0x9e: {  	s18 =	sld [smem:$0x3FDB];
	_ =	sdelay $0x1  }
0x9f: {  	s19 =	simm.s32 $_scs_section_size  }
0xa0: {  	s6 =	simm.s32 $_size__tile_overlayer_lowered;
	s7 =	simm.s32 $_tile_overlayer_lowered  }
0xa1: {  	s22 =	simm.s32 $0x1BFF;
	s21 =	sshll.u32 s7, $0x1;
	s4 =	sadd.s32 s19, s18  }
0xa2: {  	s8 =	simm.s32 $0x0;
	s20 =	sshll.u32 s6, $0x1;
	s6 =	sadd.s32 s21, s4  }
0xa3: {  	[timem:s8], [sflag:s22] =	dma.local [hbm:s6], s20  }
0xa4: {  	_ =	swait.ge [sflag:s22], s20  }
0xa5: {  	s5 =	ssub.s32 $0x0, s20;
	[sflag:s22] =	ssyncset.done $0x0  }
0xa6: {  	[sflag:s22] =	ssyncadd.s32 s5;
	_ =	sdelay $0x1  }
0xa7: {  	s23 =	simm.s32 $0x1B8B  }
0xa8: {  	_ =	swait.ge [sflag:s23], $0x1  }
0xa9: {  	[sflag:s23] =	ssyncset.done $0x0  }
0xaa: {  	s25 =	simm.s32 $0x1B8E;
	s24 =	sld [smem:$0x3FFE];
	[sflag:s23] =	ssyncadd.s32 $0xFFFFFFFF  }
0xab: {  	s26 =	simm.s32 $execute0_lowered;
	[smem:$0x3FD2] =	sst s25  }
0xac: {  	s6 =	sshll.u32 s26, $0x1;
	_ =	strace $0x80000046;
	[dreg:$0x1] =	wrdreg $0xFFFFFFFF  }
0xad: {  	s28 =	simm.s32 $_size_execute0_lowered;
	s4 =	sadd.s32 s4, s6;
	[dreg:$0x0] =	wrdreg $0x0  }
0xae: {  	s6 =	sshll.u32 s28, $0x1;
	[dreg:$0x2] =	wrdreg s4  }
0xaf: {  	[dreg:$0x3] =	wrdreg s6  }
0xb0: {  	[dreg:$0x4] =	wrdreg $0xC0  }
0xb1: {  	_ =	task [dreg:s8], $0x5FFFF  }
0xb2: {  	[dreg:$0x1] =	wrdreg $0xFFFFFFFF  }
0xb3: {  	[dreg:$0x0] =	wrdreg $0x60  }
0xb4: {  	[dreg:$0x2] =	wrdreg s15  }
0xb5: {  	[dreg:$0x3] =	wrdreg s24  }
0xb6: {  	[dreg:$0x4] =	wrdreg s16  }
0xb7: {  	[dreg:$0x5] =	wrdreg $0x28800  }
0xb8: {  	[dreg:$0x6] =	wrdreg $0x9  }
0xb9: {  	_ =	task.clear_ibuf [dreg:s8], $0x7FFFF;
	_ =	strace $0x90000046  }
0xba: {  	s29 =	simm.s32 $0x9;
	_ =	strace $0x80000048  }
0xbb: {  	_ =	swait.ge [sflag:s29], $0x1  }
0xbc: {  	[sflag:s29] =	ssyncadd.s32 $0xFFFFFFFF  }
0xbd: {  	_ =	strace $0x90000048  }
0xbe: {  	_ =	sfence  }
0xbf: {  	s30 =	sld [smem:$0x0];
	_ =	sdelay $0x2  }
0xc0: {  	s31 =	sshll.u32 s1, $0xD;
	s1 =	sshrl.u32 s1, $0x2  }
0xc1: {  	s3 =	sand.u32 $0x4000, s31;
	s1 =	sadd.s32 s1, s30  }
0xc2: {  	s0 =	sor.u32 s3, s0;
	s1 =	sshll.u32 s1, $0x11  }
0xc3: {  	s0 =	sor.u32 s1, s0  }
0xc4: {  	s0 =	sadd.s32 $0x8F2B, s0  }
0xc5: {  	[sflag:s0] =	ssyncadd.remote.s32 $0x1  }
0xc6: {  	_ =	sfence.sel $0xFFFF  }
0xc7: {  	[dreg:$0x0] =	wrdreg $0xFFFFFFFF;
	(pc) =	sbr.abs _section_cstart, $3  }
0xc8: {  	[dreg:$0x1] =	wrdreg $0xFFFFFFFF  }
0xc9: {  	_ =	task.clear_ibuf [dreg:s8], $0x2FFFF;
	_ =	strace $0x9FFFFFFF  }
0xca: {  	(tm) =	ssettm $0x7FFFFFFF  }
0xcb: {  	_ =	shalt  }
tec
execute0_lowered:
.L_overlay_start_1:
0x0: {  	(tag) =	ssettag $0x1  }
0x1: {  	s9 =	rddreg [dreg:$0x0]  }
0x2: {  	s6 =	rddreg [dreg:$0x1]  }
0x3: {  	s7 =	rddreg [dreg:$0x2]  }
0x4: {  	s1 =	rddreg [dreg:$0x3]  }
0x5: {  	s0 =	rddreg [dreg:$0x4];
	s3 =	simm.s32 $0x0;
	s2 =	stileid.u32  }
0x6: {  	s4 =	srdreg.scid;
	s18 =	simm.s32 $0x10;
	s19 =	simm.s32 $0x0  }
0x7: {  	[smem:$0x7FF] =	sst s3;
	s8 =	smul.u32 $0x280, s2;
	s10 =	sand.u32 $0x1, s4  }
0x8: {  	s5 =	sshll.u32 s2, $0x1;
	s4 =	sadd.s32 $0x2800, s6;
	s17 =	smul.u32 $0xA0, s2  }
0x9: {  	s31 =	sshll.u32 s2, $0x6;
	_ =	strace $0x80000047;
	s11 =	ssub.s32 $0x2, s10  }
0xa: {  	s12 =	sor.u32 s10, s5;
	s5 =	sadd.s32 $0x3200, s6;
	s30 =	sshll.u32 s10, $0x4  }
0xb: {  	s10 =	simm.s32 $0x2800;
	s13 =	sshrl.u32 s8, $0x3;
	s14 =	sshrl.u32 s11, $0x1  }
0xc: {  	s15 =	smul.u32 $0xA00, s12;
	s29 =	sadd.s32 s8, s1;
	s16 =	sadd.s32 s7, s30  }
0xd: {  	p0 =	seq.s32 s12, $0x1F;
	s12 =	sor.u32 $0x1C01, s31;
	s6 =	sadd.s32 s13, s6  }
0xe: {  	s11 =	ssub.s32 s11, s14;
	s13 =	sshrl.u32 s29, $0x3;
	s14 =	simm.s32 $0x80  }
0xf: {  	s16 =	sadd.s32 s17, s16;
	s17 =	simm.s32 $0x20;
	s28 =	sadd.s32 s15, s9  }
0x10: {  	s6 =	sadd.s32 $0x2C00, s6;
	s7 =	smax.u32 s11, $0x1;
	s9 =	sadd.s32 $0x13610, s9  }
0x11: {  	s11 =	simm.s32 $0x1;
	s15 =	simm.s32 $0x2;
	s8 =	sadd.s32 $0x10, s28  }
.LBB2_1:
0x12: {  	s20 =	simm.s32 @p0 $0x80;
	s21 =	simm.s32 @p0 $0x100;
	s22 =	simm.s32 @p0 $0x0  }
0x13: {  	[tilespmem:s22], [sflag:$0x1] =	stream.strided.gather @p0 [hbm4b:s9+s20], $0xA00, s21, s20, $0x38;
	[tilespmem:$0x2B00] =	vst v63  }
0x14: {  	s20 =	simm.s32 @p0 $0xA00  }
0x15: {  	[tilespmem:s20], [sflag:$0x1] =	stream.linear.gather @p0 [hbm4b:s4+s22], $0x1E00, $0x38;
	[tilespmem:$0x2B00] =	vst v63  }
0x16: {  	s20 =	simm.s32 @p0 $0x1  }
0x17: {  	_ =	swait.ge @p0 [sflag:s20], $0xA00  }
0x18: {  	[sflag:s20] =	ssyncset.done @p0 $0x0  }
0x19: {  	[sflag:s20] =	ssyncadd.s32 @p0 $0xFFFFF600  }
0x1a: {  	_ =	swait.ge @p0 [sflag:s20], $0x1E00  }
0x1b: {  	s21 =	simm.s32 @!p0 $0x100;
	[sflag:s20] =	ssyncset.done @p0 $0x0  }
0x1c: {  	s22 =	simm.s32 @!p0 $0x0;
	[sflag:s20] =	ssyncadd.s32 @p0 $0xFFFFE200;
	s20 =	simm.s32 @!p0 $0x80  }
0x1d: {  	[tilespmem:s22], [sflag:$0x1] =	stream.strided.gather @!p0 [hbm4b:s8+s20], $0x2800, s21, s20, $0x38;
	[tilespmem:$0x2B00] =	vst v63  }
0x1e: {  	s20 =	simm.s32 @!p0 $0x1  }
0x1f: {  	_ =	swait.ge @!p0 [sflag:s20], $0x2800  }
0x20: {  	[sflag:s20] =	ssyncset.done @!p0 $0x0  }
0x21: {  	[sflag:s20] =	ssyncadd.s32 @!p0 $0xFFFFD800  }
0x22: {  	[tilespmem:s10], [sflag:$0x1] =	stream.linear.gather [hbm4b:s5+s3], $0x80, $0x38;
	[tilespmem:$0x2B00] =	vst v63  }
0x23: {  	_ =	swait.ge [sflag:s11], $0x80  }
0x24: {  	[sflag:s11] =	ssyncset.done $0x0  }
0x25: {  	[sflag:s11] =	ssyncadd.s32 $0xFFFFFF80  }
0x26: {  	[spmem:s13], [sflag:s12] =	dma.local [hbm:s6], $0x50  }
0x27: {  	_ =	swait.ge [sflag:s11], $0x50  }
0x28: {  	[sflag:s11] =	ssyncset.done $0x0  }
0x29: {  	[sflag:s11] =	ssyncadd.s32 $0xFFFFFFB0  }
0x2a: {  	s31 =	simm.s32 $0x0;
	[bflag:$0x0] =	sbarrier.arrive $0xFFFF  }
0x2b: {  	[spmem:s1] =	stream.indirect.scatter.add.f32 [tilespmem:s10], [sflag:$0x2], $0x1, s31, s14, $0xb8;
	[tilespmem:$0x2B00] =	vst v63  }
0x2c: {  	_ =	swait.ge [sflag:s15], $0x80  }
0x2d: {  	s20 =	simm.s32 $0x200;
	[sflag:s15] =	ssyncset.done $0x0  }
.LBB2_2:
0x2e: {  	s21 =	sshra.s32 s20, $0x2;
	[sflag:s15] =	ssyncadd.s32 $0xFFFFFF80;
	p1 =	sne.s32 s20, $0x9E00  }
0x2f: {  	[spmem:s1] =	stream.indirect.scatter.add.f32 [tilespmem:s10], [sflag:$0x2], $0x1, s21, s14, $0xb8;
	[tilespmem:$0x2B00] =	vst v63  }
.Ltmp0:
0x30: {  	_ = 	snop;
	(pc) =	sbr.rel @p1 .LBB2_2-.Ltmp0, $4  }
0x31: {  	_ = 	snop  }
0x32: {  	s20 =	sadd.s32 $0x200, s20  }
0x33: {  	_ =	swait.ge [sflag:s15], $0x80  }
0x34: {  	[sflag:s15] =	ssyncset.done $0x0  }
0x35: {  	s19 =	sadd.s32 $0x1, s19  }
0x36: {  	[sflag:s15] =	ssyncadd.s32 $0xFFFFFF80;
	p1 =	sne.s32 s19, s7  }
.Ltmp1:
0x37: {  	[bflag:$0x0] =	sbarrier.arrive $0xFFFF;
	(pc) =	sbr.rel @p1 .LBB2_1-.Ltmp1, $4  }
0x38: {  	[hbm:s16@s17], [sflag:s12] =	dma.strided [spmem:s13@s18], $0x50, s11, $0x10   }
0x39: {  	_ =	swait.ge [sflag:s11], $0x50  }
0x3a: {  	[sflag:s11] =	ssyncset.done $0x0  }
0x3b: {  	[sflag:s11] =	ssyncadd.s32 $0xFFFFFFB0  }
0x3c: {  	_ =	sfence.sel $0x180000  }
0x3d: {  	[bflag:$0x0] =	sbarrier.arrive $0xFFFF  }
0x3e: {  	p0 =	sne.s32 s2, $0x0;
	_ =	strace $0x90000047  }
0x3f: {  	s0 =	sadd.s32 @!p0 $0x100000, s0;
	[bflag:$0x2] =	sbarrier.arrive $0xFFFF  }
0x40: {  	[sflag:s0] =	ssyncadd.tile.s32 @!p0 $0x1;
	_ =	shalt  }
.Lfunc_end2:
_tile_overlayer_lowered:
.L_overlay_start_2:
0x41: {  	(tag) =	ssettag $0x2  }
0x42: {  	s0 =	rddreg [dreg:$0x0];
	s2 =	stileid.u32  }
0x43: {  	s1 =	rddreg [dreg:$0x1];
	p0 =	sne.s32 s2, $0x0  }
0x44: {  	s3 =	rddreg [dreg:$0x2];
	[bflag:$0x3] =	sbarrier.arrive $0xFFFF;
	s2 =	simm.s32 @!p0 $0x1C02  }
0x45: {  	[timem:s3], [sflag:s2] =	dma.local @!p0 [hbm:s0], s1  }
0x46: {  	s0 =	simm.s32 @!p0 $0x2  }
0x47: {  	_ =	swait.ge @!p0 [sflag:s0], s1  }
0x48: {  	s1 =	ssub.s32 @!p0 $0x0, s1;
	[sflag:s0] =	ssyncset.done @!p0 $0x0  }
0x49: {  	[sflag:s0] =	ssyncadd.s32 @!p0 s1  }
0x4a: {  	[bflag:$0x3] =	sbarrier.arrive $0xFFFF  }
0x4b: {  	_ =	shalt  }

</sc_bundles>
